<compile_context>
chip_gen: v7x
topology: tpu7x:2x2x1
jax: 0.10.2.dev20260603
libtpu: 0.0.44.dev20260713+nightly
codegen_flags: <defaults>
</compile_context>

<pallas_src>
import jax
import jax.numpy as jnp
from jax import lax
from jax.experimental import pallas as pl
from jax.experimental.pallas import tpu as pltpu
from jax.experimental.pallas import tpu_sc as plsc

N, D_IN, D_HID, N_CLUSTERS, D_AUX = 1024, 1024, 512, 1024, 64
C_SC = 128
C_TC = N_CLUSTERS - C_SC
BM = 128
BNE = 128
BS = 128


def _mlp_body(x_ref, w1_ref, b1_ref, w2_ref, b2_ref, z_ref):
    x = x_ref[...].astype(jnp.bfloat16)
    w1 = w1_ref[...].astype(jnp.bfloat16)
    h = jnp.maximum(
        jnp.dot(x, w1, preferred_element_type=jnp.float32)
        + b1_ref[...], 0.0)
    z_ref[...] = jnp.dot(h.astype(jnp.bfloat16),
                         w2_ref[...].astype(jnp.bfloat16),
                         preferred_element_type=jnp.float32) + b2_ref[...]


def _einsum_body(z_ref, cc_ref, out_ref):
    zt = z_ref[...][:, :, None]
    out_ref[...] = jnp.sum(cc_ref[...] * zt, axis=1)


def _lsm_body(*refs):
    ins, out_ref = refs[:-1], refs[-1]
    l = jnp.concatenate([r[...] for r in ins], axis=1)
    lt = l.T
    m = jnp.max(lt, axis=0)
    e = jnp.exp(lt - m[None, :])
    s = jnp.sum(e, axis=0)
    r = lt - (m + jnp.log(s))[None, :]
    out_ref[...] = r.T


def _mlp(inputs, W1, b1, W2, b2):
    return pl.pallas_call(
        _mlp_body,
        grid=(N // BM,),
        in_specs=[
            pl.BlockSpec((BM, D_IN), lambda i: (i, 0)),
            pl.BlockSpec((D_IN, D_HID), lambda i: (0, 0)),
            pl.BlockSpec((1, D_HID), lambda i: (0, 0)),
            pl.BlockSpec((D_HID, D_AUX), lambda i: (0, 0)),
            pl.BlockSpec((1, D_AUX), lambda i: (0, 0)),
        ],
        out_specs=pl.BlockSpec((BM, D_AUX), lambda i: (i, 0)),
        out_shape=jax.ShapeDtypeStruct((N, D_AUX), jnp.float32),
    )(inputs, W1, b1.reshape(1, D_HID), W2, b2.reshape(1, D_AUX))


BCE = 128


def _sc_body(cc_ref, z_ref, out_ref, buf0, buf1, zs0, zs1, ov0, ov1,
             csem0, csem1, zsem0, zsem1, osem0, osem1):
    nc = 2
    wid = jax.lax.axis_index("s") * nc + jax.lax.axis_index("c")
    base = wid * (N // 32)
    bufs = (buf0, buf1)
    zss = (zs0, zs1)
    ovs = (ov0, ov1)
    csems = (csem0, csem1)
    zsems = (zsem0, zsem1)
    osems = (osem0, osem1)
    nsamp = N // 32

    def cc_copy(n, b):
        return pltpu.make_async_copy(
            cc_ref.at[n, :, pl.ds(C_TC, C_SC)], bufs[b], csems[b])

    def z_copy(n, b):
        return pltpu.make_async_copy(z_ref.at[n], zss[b], zsems[b])

    for b in range(2):
        cc_copy(base + b, b).start()
        z_copy(base + b, b).start()

    def sample(i, b):
        n = base + i
        buf, zs, ov = bufs[b], zss[b], ovs[b]

        @pl.when(i >= 2)
        def _():
            pltpu.make_async_copy(ov, out_ref.at[n], osems[b]).wait()

        cc_copy(n, b).wait()
        z_copy(n, b).wait()
        lane_idx = [jnp.full((16, 1), l, jnp.int32) for l in range(16)]
        gdn = jax.lax.GatherDimensionNumbers(
            offset_dims=(), collapsed_slice_dims=(0,), start_index_map=(0,))

        def group(g, _):
            acc = jnp.zeros((16,), jnp.float32)
            sl = pl.ds(g * 16, 16)
            for dc in range(D_AUX // 16):
                zc = zs[pl.ds(dc * 16, 16)]
                for l in range(16):
                    zb = jax.lax.gather(
                        zc, lane_idx[l], gdn, slice_sizes=(1,),
                        mode=jax.lax.GatherScatterMode.PROMISE_IN_BOUNDS)
                    acc = acc + zb * buf[dc * 16 + l, sl]
            ov[sl] = acc
            return 0

        jax.lax.fori_loop(0, C_SC // 16, group, 0)
        nxt = base + jax.lax.rem(i + 2, nsamp)
        cc_copy(nxt, b).start()
        z_copy(nxt, b).start()
        pltpu.make_async_copy(ov, out_ref.at[n], osems[b]).start()
        return 0

    def pair(j, _):
        sample(j * 2, 0)
        sample(j * 2 + 1, 1)
        return 0

    jax.lax.fori_loop(0, nsamp // 2, pair, 0)
    for b in range(2):
        pltpu.make_async_copy(ovs[b], out_ref.at[base], osems[b]).wait()


def _einsum_sc(z, cc_t):
    mesh = plsc.VectorSubcoreMesh(core_axis_name="c", subcore_axis_name="s")
    f32 = jnp.float32
    return pl.kernel(
        _sc_body,
        out_type=jax.ShapeDtypeStruct((N, C_SC), f32),
        mesh=mesh,
        cost_estimate=pl.CostEstimate(
            flops=2 * N * C_SC * D_AUX,
            bytes_accessed=4 * N * C_SC * D_AUX,
            transcendentals=0),
        scratch_types=[
            pltpu.VMEM((D_AUX, C_SC), f32), pltpu.VMEM((D_AUX, C_SC), f32),
            pltpu.VMEM((D_AUX,), f32), pltpu.VMEM((D_AUX,), f32),
            pltpu.VMEM((C_SC,), f32), pltpu.VMEM((C_SC,), f32),
            pltpu.SemaphoreType.DMA, pltpu.SemaphoreType.DMA,
            pltpu.SemaphoreType.DMA, pltpu.SemaphoreType.DMA,
            pltpu.SemaphoreType.DMA, pltpu.SemaphoreType.DMA,
        ],
    )(cc_t, z)


def _einsum_tc(z, cc_t):
    return pl.pallas_call(
        _einsum_body,
        grid=(N // BNE, C_TC // BCE),
        in_specs=[
            pl.BlockSpec((BNE, D_AUX), lambda i, j: (i, 0)),
            pl.BlockSpec((BNE, D_AUX, BCE), lambda i, j: (i, 0, j)),
        ],
        out_specs=pl.BlockSpec((BNE, BCE), lambda i, j: (i, j)),
        out_shape=jax.ShapeDtypeStruct((N, C_TC), jnp.float32),
        cost_estimate=pl.CostEstimate(
            flops=2 * N * C_TC * D_AUX,
            bytes_accessed=4 * N * C_TC * D_AUX,
            transcendentals=0),
    )(z, cc_t)


def _log_softmax(parts):
    n_in = len(parts)
    widths = [p.shape[1] for p in parts]
    return pl.pallas_call(
        _lsm_body,
        grid=(N // BS,),
        in_specs=[pl.BlockSpec((BS, w), lambda i: (i, 0)) for w in widths],
        out_specs=pl.BlockSpec((BS, N_CLUSTERS), lambda i: (i, 0)),
        out_shape=jax.ShapeDtypeStruct((N, N_CLUSTERS), jnp.float32),
    )(*parts)


def kernel(inputs, cluster_centers, W1, b1, W2, b2):
    cc_t = jnp.swapaxes(cluster_centers, 1, 2)
    z = _mlp(inputs, W1, b1, W2, b2)
    parts = []
    if C_TC > 0:
        parts.append(_einsum_tc(z, cc_t))
    if C_SC > 0:
        parts.append(_einsum_sc(z, cc_t))
    return _log_softmax(parts)

# --- scband reference (transcript-rebuilt; emitter-appended) ---
"""Pipeline reference for scband-base-cluster-policy-model-57913339019332 (READ-ONLY COPY).

The authoritative reference and input builder live on the scoring server;
editing this copy changes nothing except your own understanding.
"""

import jax, jax.numpy as jnp
import numpy as np

N, D_IN, D_HID, N_CLUSTERS, D_AUX = 1024, 1024, 512, 1024, 64

def setup_inputs(seed: int = 0) -> dict:
    key = jax.random.key(seed)
    k = jax.random.split(key, 4)
    inputs = jax.random.normal(k[0], (N, D_IN), dtype=jnp.float32)
    cluster_centers = jax.random.normal(k[1], (N, N_CLUSTERS, D_AUX), dtype=jnp.float32)
    W1 = jax.random.normal(k[2], (D_IN, D_HID), dtype=jnp.float32) * (1.0 / np.sqrt(D_IN))
    b1 = jnp.zeros((D_HID,), dtype=jnp.float32)
    W2 = jax.random.normal(k[3], (D_HID, D_AUX), dtype=jnp.float32) * (1.0 / np.sqrt(D_HID))
    b2 = jnp.zeros((D_AUX,), dtype=jnp.float32)
    return {"inputs": inputs, "cluster_centers": cluster_centers, "W1": W1, "b1": b1, "W2": W2, "b2": b2}

def reference(inputs, cluster_centers, W1, b1, W2, b2):
    # Concrete realization of BaseClusterPolicyModel.forward:
    # project concatenated (context, query) inputs into the auxiliary embedding
    # space via a 2-layer MLP, then score each per-sample cluster center by
    # inner product to obtain action logits (n_samples, n_actions).
    h = jax.nn.relu(inputs @ W1 + b1)
    z = h @ W2 + b2  # (N, D_AUX)
    logits = jnp.einsum('nd,ncd->nc', z, cluster_centers)  # (N, N_CLUSTERS)
    # calc_action_choice_probability path: log-softmax over actions
    log_prob = jax.nn.log_softmax(logits, axis=1)
    return log_prob

if __name__ == "__main__":
    import jax
    _d = setup_inputs()
    print(jax.jit(kernel)(*tuple(_d.values())))

</pallas_src>

<mosaic_0001>
#map = affine_map<(d0, d1) -> (0, 0, 0)>
#map1 = affine_map<(d0, d1) -> (0, 0)>
module attributes {stable_mosaic.version = 14 : i64} {
  func.func @_sc_body(%arg0: i32, %arg1: i32, %arg2: memref<1024x64x1024xf32, #tpu.memory_space<hbm>>, %arg3: memref<1024x64xf32, #tpu.memory_space<hbm>>, %arg4: memref<1024x128xf32, #tpu.memory_space<hbm>>, %arg5: memref<64x128xf32, #tpu.memory_space<vmem>>, %arg6: memref<64x128xf32, #tpu.memory_space<vmem>>, %arg7: memref<64xf32, #tpu.memory_space<vmem>>, %arg8: memref<64xf32, #tpu.memory_space<vmem>>, %arg9: memref<128xf32, #tpu.memory_space<vmem>>, %arg10: memref<128xf32, #tpu.memory_space<vmem>>, %arg11: memref<!tpu.dma_semaphore, #tpu.memory_space<semaphore_mem>>, %arg12: memref<!tpu.dma_semaphore, #tpu.memory_space<semaphore_mem>>, %arg13: memref<!tpu.dma_semaphore, #tpu.memory_space<semaphore_mem>>, %arg14: memref<!tpu.dma_semaphore, #tpu.memory_space<semaphore_mem>>, %arg15: memref<!tpu.dma_semaphore, #tpu.memory_space<semaphore_mem>>, %arg16: memref<!tpu.dma_semaphore, #tpu.memory_space<semaphore_mem>>) attributes {dimension_semantics = [#tpu.dimension_semantics<core_parallel>, #tpu.dimension_semantics<subcore_parallel>], iteration_bounds = array<i64: 2, 16>, scalar_prefetch = 0 : i64, scratch_operands = 12 : i64, tpu.core_type = #tpu.core_type<sc_vector_subcore>, window_params = [{transform_indices = #map}, {transform_indices = #map1}, {transform_indices = #map1}]} {
    %mul3A = arith.constant 2 : i32
    %mul3A_0 = arith.muli %arg1, %mul3A : i32
    %add3A = arith.addi %mul3A_0, %arg0 : i32
    %mul3A_1 = arith.constant 32 : i32
    %mul3A_2 = arith.muli %add3A, %mul3A_1 : i32
    %add3A_3 = arith.constant 0 : i32
    %add3A_4 = arith.addi %mul3A_2, %add3A_3 : i32
    %dma_start3A = arith.constant 0 : i32
    %dma_start3A_5 = arith.constant 896 : i32
    %dma_start3A_6 = tpu.memref_slice %arg2[%add3A_4, %dma_start3A, %dma_start3A_5] : memref<1024x64x1024xf32, #tpu.memory_space<hbm>> -> memref<1x64x128xf32, #tpu.memory_space<hbm>>
    %dma_start3A_7 = tpu.memref_squeeze %dma_start3A_6 : memref<1x64x128xf32, #tpu.memory_space<hbm>> -> memref<64x128xf32, #tpu.memory_space<hbm>>
    %dma_start3A_8 = arith.constant 0 : i32
    %dma_start3A_9 = arith.constant 896 : i32
    %dma_start3A_10 = tpu.memref_slice %arg2[%add3A_4, %dma_start3A_8, %dma_start3A_9] : memref<1024x64x1024xf32, #tpu.memory_space<hbm>> -> memref<1x64x128xf32, #tpu.memory_space<hbm>>
    %dma_start3A_11 = tpu.memref_squeeze %dma_start3A_10 : memref<1x64x128xf32, #tpu.memory_space<hbm>> -> memref<64x128xf32, #tpu.memory_space<hbm>>
    tpu.enqueue_dma source(%dma_start3A_11 : memref<64x128xf32, #tpu.memory_space<hbm>>) target(%arg5 : memref<64x128xf32, #tpu.memory_space<vmem>>) target_semaphore(%arg11 : memref<!tpu.dma_semaphore, #tpu.memory_space<semaphore_mem>>)
    %add3A_12 = arith.constant 0 : i32
    %add3A_13 = arith.addi %mul3A_2, %add3A_12 : i32
    %dma_start3A_14 = arith.constant 0 : i32
    %dma_start3A_15 = tpu.memref_slice %arg3[%add3A_13, %dma_start3A_14] : memref<1024x64xf32, #tpu.memory_space<hbm>> -> memref<1x64xf32, #tpu.memory_space<hbm>>
    %dma_start3A_16 = tpu.memref_squeeze %dma_start3A_15 : memref<1x64xf32, #tpu.memory_space<hbm>> -> memref<64xf32, #tpu.memory_space<hbm>>
    %dma_start3A_17 = arith.constant 0 : i32
    %dma_start3A_18 = tpu.memref_slice %arg3[%add3A_13, %dma_start3A_17] : memref<1024x64xf32, #tpu.memory_space<hbm>> -> memref<1x64xf32, #tpu.memory_space<hbm>>
    %dma_start3A_19 = tpu.memref_squeeze %dma_start3A_18 : memref<1x64xf32, #tpu.memory_space<hbm>> -> memref<64xf32, #tpu.memory_space<hbm>>
    tpu.enqueue_dma source(%dma_start3A_19 : memref<64xf32, #tpu.memory_space<hbm>>) target(%arg7 : memref<64xf32, #tpu.memory_space<vmem>>) target_semaphore(%arg13 : memref<!tpu.dma_semaphore, #tpu.memory_space<semaphore_mem>>)
    %add3A_20 = arith.constant 1 : i32
    %add3A_21 = arith.addi %mul3A_2, %add3A_20 : i32
    %dma_start3A_22 = arith.constant 0 : i32
    %dma_start3A_23 = arith.constant 896 : i32
    %dma_start3A_24 = tpu.memref_slice %arg2[%add3A_21, %dma_start3A_22, %dma_start3A_23] : memref<1024x64x1024xf32, #tpu.memory_space<hbm>> -> memref<1x64x128xf32, #tpu.memory_space<hbm>>
    %dma_start3A_25 = tpu.memref_squeeze %dma_start3A_24 : memref<1x64x128xf32, #tpu.memory_space<hbm>> -> memref<64x128xf32, #tpu.memory_space<hbm>>
    %dma_start3A_26 = arith.constant 0 : i32
    %dma_start3A_27 = arith.constant 896 : i32
    %dma_start3A_28 = tpu.memref_slice %arg2[%add3A_21, %dma_start3A_26, %dma_start3A_27] : memref<1024x64x1024xf32, #tpu.memory_space<hbm>> -> memref<1x64x128xf32, #tpu.memory_space<hbm>>
    %dma_start3A_29 = tpu.memref_squeeze %dma_start3A_28 : memref<1x64x128xf32, #tpu.memory_space<hbm>> -> memref<64x128xf32, #tpu.memory_space<hbm>>
    tpu.enqueue_dma source(%dma_start3A_29 : memref<64x128xf32, #tpu.memory_space<hbm>>) target(%arg6 : memref<64x128xf32, #tpu.memory_space<vmem>>) target_semaphore(%arg12 : memref<!tpu.dma_semaphore, #tpu.memory_space<semaphore_mem>>)
    %add3A_30 = arith.constant 1 : i32
    %add3A_31 = arith.addi %mul3A_2, %add3A_30 : i32
    %dma_start3A_32 = arith.constant 0 : i32
    %dma_start3A_33 = tpu.memref_slice %arg3[%add3A_31, %dma_start3A_32] : memref<1024x64xf32, #tpu.memory_space<hbm>> -> memref<1x64xf32, #tpu.memory_space<hbm>>
    %dma_start3A_34 = tpu.memref_squeeze %dma_start3A_33 : memref<1x64xf32, #tpu.memory_space<hbm>> -> memref<64xf32, #tpu.memory_space<hbm>>
    %dma_start3A_35 = arith.constant 0 : i32
    %dma_start3A_36 = tpu.memref_slice %arg3[%add3A_31, %dma_start3A_35] : memref<1024x64xf32, #tpu.memory_space<hbm>> -> memref<1x64xf32, #tpu.memory_space<hbm>>
    %dma_start3A_37 = tpu.memref_squeeze %dma_start3A_36 : memref<1x64xf32, #tpu.memory_space<hbm>> -> memref<64xf32, #tpu.memory_space<hbm>>
    tpu.enqueue_dma source(%dma_start3A_37 : memref<64xf32, #tpu.memory_space<hbm>>) target(%arg8 : memref<64xf32, #tpu.memory_space<vmem>>) target_semaphore(%arg14 : memref<!tpu.dma_semaphore, #tpu.memory_space<semaphore_mem>>)
    %scan3A = arith.constant 0 : i32
    %scan3A_38 = arith.constant 0 : i32
    %scan3A_39 = arith.constant 16 : i32
    %scan3A_40 = arith.addi %scan3A_38, %scan3A_39 : i32
    %scan3A_41 = arith.constant 1 : i32
    %scan3A_42 = scf.for %scan3A_55 = %scan3A_38 to %scan3A_40 step %scan3A_41 iter_args(%scan3A_56 = %scan3A) -> (i32)  : i32 {
      %mul3A_57 = arith.constant 2 : i32
      %mul3A_58 = arith.muli %scan3A_55, %mul3A_57 : i32
      %add3A_59 = arith.addi %mul3A_2, %mul3A_58 : i32
      %ge3A = arith.constant 2 : i32
      %ge3A_60 = arith.cmpi sge, %mul3A_58, %ge3A : i32
      %convert_element_type3A = arith.extui %ge3A_60 : i1 to i32
      %cond3A = arith.constant 0 : i32
      %cond3A_61 = arith.cmpi ne, %convert_element_type3A, %cond3A : i32
      scf.if %cond3A_61 {
        %dma_wait3A_227 = arith.constant 0 : i32
        %dma_wait3A_228 = tpu.memref_slice %arg4[%add3A_59, %dma_wait3A_227] : memref<1024x128xf32, #tpu.memory_space<hbm>> -> memref<1x128xf32, #tpu.memory_space<hbm>>
        %dma_wait3A_229 = tpu.memref_squeeze %dma_wait3A_228 : memref<1x128xf32, #tpu.memory_space<hbm>> -> memref<128xf32, #tpu.memory_space<hbm>>
        %dma_wait3A_230 = arith.constant 0 : i32
        %dma_wait3A_231 = tpu.memref_slice %arg4[%add3A_59, %dma_wait3A_230] : memref<1024x128xf32, #tpu.memory_space<hbm>> -> memref<1x128xf32, #tpu.memory_space<hbm>>
        %dma_wait3A_232 = tpu.memref_squeeze %dma_wait3A_231 : memref<1x128xf32, #tpu.memory_space<hbm>> -> memref<128xf32, #tpu.memory_space<hbm>>
        tpu.wait_dma2 semaphore(%arg15 : memref<!tpu.dma_semaphore, #tpu.memory_space<semaphore_mem>>) src(%arg9 : memref<128xf32, #tpu.memory_space<vmem>>) dst(%dma_wait3A_232 : memref<128xf32, #tpu.memory_space<hbm>>)
      } else {
      }
      %dma_wait3A_62 = arith.constant 0 : i32
      %dma_wait3A_63 = arith.constant 896 : i32
      %dma_wait3A_64 = tpu.memref_slice %arg2[%add3A_59, %dma_wait3A_62, %dma_wait3A_63] : memref<1024x64x1024xf32, #tpu.memory_space<hbm>> -> memref<1x64x128xf32, #tpu.memory_space<hbm>>
      %dma_wait3A_65 = tpu.memref_squeeze %dma_wait3A_64 : memref<1x64x128xf32, #tpu.memory_space<hbm>> -> memref<64x128xf32, #tpu.memory_space<hbm>>
      %dma_wait3A_66 = arith.constant 0 : i32
      %dma_wait3A_67 = arith.constant 896 : i32
      %dma_wait3A_68 = tpu.memref_slice %arg2[%add3A_59, %dma_wait3A_66, %dma_wait3A_67] : memref<1024x64x1024xf32, #tpu.memory_space<hbm>> -> memref<1x64x128xf32, #tpu.memory_space<hbm>>
      %dma_wait3A_69 = tpu.memref_squeeze %dma_wait3A_68 : memref<1x64x128xf32, #tpu.memory_space<hbm>> -> memref<64x128xf32, #tpu.memory_space<hbm>>
      tpu.wait_dma2 semaphore(%arg11 : memref<!tpu.dma_semaphore, #tpu.memory_space<semaphore_mem>>) src(%dma_wait3A_69 : memref<64x128xf32, #tpu.memory_space<hbm>>) dst(%arg5 : memref<64x128xf32, #tpu.memory_space<vmem>>)
      %dma_wait3A_70 = arith.constant 0 : i32
      %dma_wait3A_71 = tpu.memref_slice %arg3[%add3A_59, %dma_wait3A_70] : memref<1024x64xf32, #tpu.memory_space<hbm>> -> memref<1x64xf32, #tpu.memory_space<hbm>>
      %dma_wait3A_72 = tpu.memref_squeeze %dma_wait3A_71 : memref<1x64xf32, #tpu.memory_space<hbm>> -> memref<64xf32, #tpu.memory_space<hbm>>
      %dma_wait3A_73 = arith.constant 0 : i32
      %dma_wait3A_74 = tpu.memref_slice %arg3[%add3A_59, %dma_wait3A_73] : memref<1024x64xf32, #tpu.memory_space<hbm>> -> memref<1x64xf32, #tpu.memory_space<hbm>>
      %dma_wait3A_75 = tpu.memref_squeeze %dma_wait3A_74 : memref<1x64xf32, #tpu.memory_space<hbm>> -> memref<64xf32, #tpu.memory_space<hbm>>
      tpu.wait_dma2 semaphore(%arg13 : memref<!tpu.dma_semaphore, #tpu.memory_space<semaphore_mem>>) src(%dma_wait3A_75 : memref<64xf32, #tpu.memory_space<hbm>>) dst(%arg7 : memref<64xf32, #tpu.memory_space<vmem>>)
      %broadcast_in_dim3A = arith.constant 0 : i32
      %broadcast_in_dim3A_76 = vector.broadcast %broadcast_in_dim3A : i32 to vector<16x1xi32>
      %broadcast_in_dim3A_77 = arith.constant 1 : i32
      %broadcast_in_dim3A_78 = vector.broadcast %broadcast_in_dim3A_77 : i32 to vector<16x1xi32>
      %broadcast_in_dim3A_79 = arith.constant 2 : i32
      %broadcast_in_dim3A_80 = vector.broadcast %broadcast_in_dim3A_79 : i32 to vector<16x1xi32>
      %broadcast_in_dim3A_81 = arith.constant 3 : i32
      %broadcast_in_dim3A_82 = vector.broadcast %broadcast_in_dim3A_81 : i32 to vector<16x1xi32>
      %broadcast_in_dim3A_83 = arith.constant 4 : i32
      %broadcast_in_dim3A_84 = vector.broadcast %broadcast_in_dim3A_83 : i32 to vector<16x1xi32>
      %broadcast_in_dim3A_85 = arith.constant 5 : i32
      %broadcast_in_dim3A_86 = vector.broadcast %broadcast_in_dim3A_85 : i32 to vector<16x1xi32>
      %broadcast_in_dim3A_87 = arith.constant 6 : i32
      %broadcast_in_dim3A_88 = vector.broadcast %broadcast_in_dim3A_87 : i32 to vector<16x1xi32>
      %broadcast_in_dim3A_89 = arith.constant 7 : i32
      %broadcast_in_dim3A_90 = vector.broadcast %broadcast_in_dim3A_89 : i32 to vector<16x1xi32>
      %broadcast_in_dim3A_91 = arith.constant 8 : i32
      %broadcast_in_dim3A_92 = vector.broadcast %broadcast_in_dim3A_91 : i32 to vector<16x1xi32>
      %broadcast_in_dim3A_93 = arith.constant 9 : i32
      %broadcast_in_dim3A_94 = vector.broadcast %broadcast_in_dim3A_93 : i32 to vector<16x1xi32>
      %broadcast_in_dim3A_95 = arith.constant 10 : i32
      %broadcast_in_dim3A_96 = vector.broadcast %broadcast_in_dim3A_95 : i32 to vector<16x1xi32>
      %broadcast_in_dim3A_97 = arith.constant 11 : i32
      %broadcast_in_dim3A_98 = vector.broadcast %broadcast_in_dim3A_97 : i32 to vector<16x1xi32>
      %broadcast_in_dim3A_99 = arith.constant 12 : i32
      %broadcast_in_dim3A_100 = vector.broadcast %broadcast_in_dim3A_99 : i32 to vector<16x1xi32>
      %broadcast_in_dim3A_101 = arith.constant 13 : i32
      %broadcast_in_dim3A_102 = vector.broadcast %broadcast_in_dim3A_101 : i32 to vector<16x1xi32>
      %broadcast_in_dim3A_103 = arith.constant 14 : i32
      %broadcast_in_dim3A_104 = vector.broadcast %broadcast_in_dim3A_103 : i32 to vector<16x1xi32>
      %broadcast_in_dim3A_105 = arith.constant 15 : i32
      %broadcast_in_dim3A_106 = vector.broadcast %broadcast_in_dim3A_105 : i32 to vector<16x1xi32>
      %scan3A_107 = arith.constant 0 : i32
      %scan3A_108 = arith.constant 0 : i32
      %scan3A_109 = arith.constant 8 : i32
      %scan3A_110 = arith.addi %scan3A_108, %scan3A_109 : i32
      %scan3A_111 = arith.constant 1 : i32
      %scan3A_112 = scf.for %scan3A_227 = %scan3A_108 to %scan3A_110 step %scan3A_111 iter_args(%scan3A_228 = %scan3A_107) -> (i32)  : i32 {
        %broadcast_in_dim3A_229 = arith.constant 0.000000e+00 : f32
        %broadcast_in_dim3A_230 = vector.broadcast %broadcast_in_dim3A_229 : f32 to vector<16xf32>
        %mul3A_231 = arith.constant 16 : i32
        %mul3A_232 = arith.muli %scan3A_227, %mul3A_231 : i32
        %get3A = arith.constant 0 : index
        %get3A_233 = tpu.vector_load %arg7[%get3A] {strides = array<i32>} : memref<64xf32, #tpu.memory_space<vmem>>, vector<16xf32>,
        %get3A_234 = vector.shape_cast %get3A_233 : vector<16xf32> to vector<16xf32>
        %gather3A = vector.shape_cast %broadcast_in_dim3A_76 : vector<16x1xi32> to vector<16xi32>
        %gather3A_235 = tpu.dynamic_gather %get3A_234[%gather3A] in [0] : vector<16xf32>, vector<16xi32> -> vector<16xf32>
        %get3A_236 = arith.constant 0 : i32
        %get3A_237 = arith.index_cast %get3A_236 : i32 to index
        %get3A_238 = arith.index_cast %mul3A_232 : i32 to index
        %get3A_239 = tpu.vector_load %arg5[%get3A_237, %get3A_238] {strides = array<i32>} : memref<64x128xf32, #tpu.memory_space<vmem>>, vector<1x16xf32>,
        %get3A_240 = vector.shape_cast %get3A_239 : vector<1x16xf32> to vector<16xf32>
        %mul3A_241 = arith.mulf %gather3A_235, %get3A_240 : vector<16xf32>
        %add3A_242 = arith.addf %broadcast_in_dim3A_230, %mul3A_241 : vector<16xf32>
        %gather3A_243 = vector.shape_cast %broadcast_in_dim3A_78 : vector<16x1xi32> to vector<16xi32>
        %gather3A_244 = tpu.dynamic_gather %get3A_234[%gather3A_243] in [0] : vector<16xf32>, vector<16xi32> -> vector<16xf32>
        %get3A_245 = arith.constant 1 : i32
        %get3A_246 = arith.index_cast %get3A_245 : i32 to index
        %get3A_247 = arith.index_cast %mul3A_232 : i32 to index
        %get3A_248 = tpu.vector_load %arg5[%get3A_246, %get3A_247] {strides = array<i32>} : memref<64x128xf32, #tpu.memory_space<vmem>>, vector<1x16xf32>,
        %get3A_249 = vector.shape_cast %get3A_248 : vector<1x16xf32> to vector<16xf32>
        %mul3A_250 = arith.mulf %gather3A_244, %get3A_249 : vector<16xf32>
        %add3A_251 = arith.addf %add3A_242, %mul3A_250 : vector<16xf32>
        %gather3A_252 = vector.shape_cast %broadcast_in_dim3A_80 : vector<16x1xi32> to vector<16xi32>
        %gather3A_253 = tpu.dynamic_gather %get3A_234[%gather3A_252] in [0] : vector<16xf32>, vector<16xi32> -> vector<16xf32>
        %get3A_254 = arith.constant 2 : i32
        %get3A_255 = arith.index_cast %get3A_254 : i32 to index
        %get3A_256 = arith.index_cast %mul3A_232 : i32 to index
        %get3A_257 = tpu.vector_load %arg5[%get3A_255, %get3A_256] {strides = array<i32>} : memref<64x128xf32, #tpu.memory_space<vmem>>, vector<1x16xf32>,
        %get3A_258 = vector.shape_cast %get3A_257 : vector<1x16xf32> to vector<16xf32>
        %mul3A_259 = arith.mulf %gather3A_253, %get3A_258 : vector<16xf32>
        %add3A_260 = arith.addf %add3A_251, %mul3A_259 : vector<16xf32>
        %gather3A_261 = vector.shape_cast %broadcast_in_dim3A_82 : vector<16x1xi32> to vector<16xi32>
        %gather3A_262 = tpu.dynamic_gather %get3A_234[%gather3A_261] in [0] : vector<16xf32>, vector<16xi32> -> vector<16xf32>
        %get3A_263 = arith.constant 3 : i32
        %get3A_264 = arith.index_cast %get3A_263 : i32 to index
        %get3A_265 = arith.index_cast %mul3A_232 : i32 to index
        %get3A_266 = tpu.vector_load %arg5[%get3A_264, %get3A_265] {strides = array<i32>} : memref<64x128xf32, #tpu.memory_space<vmem>>, vector<1x16xf32>,
        %get3A_267 = vector.shape_cast %get3A_266 : vector<1x16xf32> to vector<16xf32>
        %mul3A_268 = arith.mulf %gather3A_262, %get3A_267 : vector<16xf32>
        %add3A_269 = arith.addf %add3A_260, %mul3A_268 : vector<16xf32>
        %gather3A_270 = vector.shape_cast %broadcast_in_dim3A_84 : vector<16x1xi32> to vector<16xi32>
        %gather3A_271 = tpu.dynamic_gather %get3A_234[%gather3A_270] in [0] : vector<16xf32>, vector<16xi32> -> vector<16xf32>
        %get3A_272 = arith.constant 4 : i32
        %get3A_273 = arith.index_cast %get3A_272 : i32 to index
        %get3A_274 = arith.index_cast %mul3A_232 : i32 to index
        %get3A_275 = tpu.vector_load %arg5[%get3A_273, %get3A_274] {strides = array<i32>} : memref<64x128xf32, #tpu.memory_space<vmem>>, vector<1x16xf32>,
        %get3A_276 = vector.shape_cast %get3A_275 : vector<1x16xf32> to vector<16xf32>
        %mul3A_277 = arith.mulf %gather3A_271, %get3A_276 : vector<16xf32>
        %add3A_278 = arith.addf %add3A_269, %mul3A_277 : vector<16xf32>
        %gather3A_279 = vector.shape_cast %broadcast_in_dim3A_86 : vector<16x1xi32> to vector<16xi32>
        %gather3A_280 = tpu.dynamic_gather %get3A_234[%gather3A_279] in [0] : vector<16xf32>, vector<16xi32> -> vector<16xf32>
        %get3A_281 = arith.constant 5 : i32
        %get3A_282 = arith.index_cast %get3A_281 : i32 to index
        %get3A_283 = arith.index_cast %mul3A_232 : i32 to index
        %get3A_284 = tpu.vector_load %arg5[%get3A_282, %get3A_283] {strides = array<i32>} : memref<64x128xf32, #tpu.memory_space<vmem>>, vector<1x16xf32>,
        %get3A_285 = vector.shape_cast %get3A_284 : vector<1x16xf32> to vector<16xf32>
        %mul3A_286 = arith.mulf %gather3A_280, %get3A_285 : vector<16xf32>
        %add3A_287 = arith.addf %add3A_278, %mul3A_286 : vector<16xf32>
        %gather3A_288 = vector.shape_cast %broadcast_in_dim3A_88 : vector<16x1xi32> to vector<16xi32>
        %gather3A_289 = tpu.dynamic_gather %get3A_234[%gather3A_288] in [0] : vector<16xf32>, vector<16xi32> -> vector<16xf32>
        %get3A_290 = arith.constant 6 : i32
        %get3A_291 = arith.index_cast %get3A_290 : i32 to index
        %get3A_292 = arith.index_cast %mul3A_232 : i32 to index
        %get3A_293 = tpu.vector_load %arg5[%get3A_291, %get3A_292] {strides = array<i32>} : memref<64x128xf32, #tpu.memory_space<vmem>>, vector<1x16xf32>,
        %get3A_294 = vector.shape_cast %get3A_293 : vector<1x16xf32> to vector<16xf32>
        %mul3A_295 = arith.mulf %gather3A_289, %get3A_294 : vector<16xf32>
        %add3A_296 = arith.addf %add3A_287, %mul3A_295 : vector<16xf32>
        %gather3A_297 = vector.shape_cast %broadcast_in_dim3A_90 : vector<16x1xi32> to vector<16xi32>
        %gather3A_298 = tpu.dynamic_gather %get3A_234[%gather3A_297] in [0] : vector<16xf32>, vector<16xi32> -> vector<16xf32>
        %get3A_299 = arith.constant 7 : i32
        %get3A_300 = arith.index_cast %get3A_299 : i32 to index
        %get3A_301 = arith.index_cast %mul3A_232 : i32 to index
        %get3A_302 = tpu.vector_load %arg5[%get3A_300, %get3A_301] {strides = array<i32>} : memref<64x128xf32, #tpu.memory_space<vmem>>, vector<1x16xf32>,
        %get3A_303 = vector.shape_cast %get3A_302 : vector<1x16xf32> to vector<16xf32>
        %mul3A_304 = arith.mulf %gather3A_298, %get3A_303 : vector<16xf32>
        %add3A_305 = arith.addf %add3A_296, %mul3A_304 : vector<16xf32>
        %gather3A_306 = vector.shape_cast %broadcast_in_dim3A_92 : vector<16x1xi32> to vector<16xi32>
        %gather3A_307 = tpu.dynamic_gather %get3A_234[%gather3A_306] in [0] : vector<16xf32>, vector<16xi32> -> vector<16xf32>
        %get3A_308 = arith.constant 8 : i32
        %get3A_309 = arith.index_cast %get3A_308 : i32 to index
        %get3A_310 = arith.index_cast %mul3A_232 : i32 to index
        %get3A_311 = tpu.vector_load %arg5[%get3A_309, %get3A_310] {strides = array<i32>} : memref<64x128xf32, #tpu.memory_space<vmem>>, vector<1x16xf32>,
        %get3A_312 = vector.shape_cast %get3A_311 : vector<1x16xf32> to vector<16xf32>
        %mul3A_313 = arith.mulf %gather3A_307, %get3A_312 : vector<16xf32>
        %add3A_314 = arith.addf %add3A_305, %mul3A_313 : vector<16xf32>
        %gather3A_315 = vector.shape_cast %broadcast_in_dim3A_94 : vector<16x1xi32> to vector<16xi32>
        %gather3A_316 = tpu.dynamic_gather %get3A_234[%gather3A_315] in [0] : vector<16xf32>, vector<16xi32> -> vector<16xf32>
        %get3A_317 = arith.constant 9 : i32
        %get3A_318 = arith.index_cast %get3A_317 : i32 to index
        %get3A_319 = arith.index_cast %mul3A_232 : i32 to index
        %get3A_320 = tpu.vector_load %arg5[%get3A_318, %get3A_319] {strides = array<i32>} : memref<64x128xf32, #tpu.memory_space<vmem>>, vector<1x16xf32>,
        %get3A_321 = vector.shape_cast %get3A_320 : vector<1x16xf32> to vector<16xf32>
        %mul3A_322 = arith.mulf %gather3A_316, %get3A_321 : vector<16xf32>
        %add3A_323 = arith.addf %add3A_314, %mul3A_322 : vector<16xf32>
        %gather3A_324 = vector.shape_cast %broadcast_in_dim3A_96 : vector<16x1xi32> to vector<16xi32>
        %gather3A_325 = tpu.dynamic_gather %get3A_234[%gather3A_324] in [0] : vector<16xf32>, vector<16xi32> -> vector<16xf32>
        %get3A_326 = arith.constant 10 : i32
        %get3A_327 = arith.index_cast %get3A_326 : i32 to index
        %get3A_328 = arith.index_cast %mul3A_232 : i32 to index
        %get3A_329 = tpu.vector_load %arg5[%get3A_327, %get3A_328] {strides = array<i32>} : memref<64x128xf32, #tpu.memory_space<vmem>>, vector<1x16xf32>,
        %get3A_330 = vector.shape_cast %get3A_329 : vector<1x16xf32> to vector<16xf32>
        %mul3A_331 = arith.mulf %gather3A_325, %get3A_330 : vector<16xf32>
        %add3A_332 = arith.addf %add3A_323, %mul3A_331 : vector<16xf32>
        %gather3A_333 = vector.shape_cast %broadcast_in_dim3A_98 : vector<16x1xi32> to vector<16xi32>
        %gather3A_334 = tpu.dynamic_gather %get3A_234[%gather3A_333] in [0] : vector<16xf32>, vector<16xi32> -> vector<16xf32>
        %get3A_335 = arith.constant 11 : i32
        %get3A_336 = arith.index_cast %get3A_335 : i32 to index
        %get3A_337 = arith.index_cast %mul3A_232 : i32 to index
        %get3A_338 = tpu.vector_load %arg5[%get3A_336, %get3A_337] {strides = array<i32>} : memref<64x128xf32, #tpu.memory_space<vmem>>, vector<1x16xf32>,
        %get3A_339 = vector.shape_cast %get3A_338 : vector<1x16xf32> to vector<16xf32>
        %mul3A_340 = arith.mulf %gather3A_334, %get3A_339 : vector<16xf32>
        %add3A_341 = arith.addf %add3A_332, %mul3A_340 : vector<16xf32>
        %gather3A_342 = vector.shape_cast %broadcast_in_dim3A_100 : vector<16x1xi32> to vector<16xi32>
        %gather3A_343 = tpu.dynamic_gather %get3A_234[%gather3A_342] in [0] : vector<16xf32>, vector<16xi32> -> vector<16xf32>
        %get3A_344 = arith.constant 12 : i32
        %get3A_345 = arith.index_cast %get3A_344 : i32 to index
        %get3A_346 = arith.index_cast %mul3A_232 : i32 to index
        %get3A_347 = tpu.vector_load %arg5[%get3A_345, %get3A_346] {strides = array<i32>} : memref<64x128xf32, #tpu.memory_space<vmem>>, vector<1x16xf32>,
        %get3A_348 = vector.shape_cast %get3A_347 : vector<1x16xf32> to vector<16xf32>
        %mul3A_349 = arith.mulf %gather3A_343, %get3A_348 : vector<16xf32>
        %add3A_350 = arith.addf %add3A_341, %mul3A_349 : vector<16xf32>
        %gather3A_351 = vector.shape_cast %broadcast_in_dim3A_102 : vector<16x1xi32> to vector<16xi32>
        %gather3A_352 = tpu.dynamic_gather %get3A_234[%gather3A_351] in [0] : vector<16xf32>, vector<16xi32> -> vector<16xf32>
        %get3A_353 = arith.constant 13 : i32
        %get3A_354 = arith.index_cast %get3A_353 : i32 to index
        %get3A_355 = arith.index_cast %mul3A_232 : i32 to index
        %get3A_356 = tpu.vector_load %arg5[%get3A_354, %get3A_355] {strides = array<i32>} : memref<64x128xf32, #tpu.memory_space<vmem>>, vector<1x16xf32>,
        %get3A_357 = vector.shape_cast %get3A_356 : vector<1x16xf32> to vector<16xf32>
        %mul3A_358 = arith.mulf %gather3A_352, %get3A_357 : vector<16xf32>
        %add3A_359 = arith.addf %add3A_350, %mul3A_358 : vector<16xf32>
        %gather3A_360 = vector.shape_cast %broadcast_in_dim3A_104 : vector<16x1xi32> to vector<16xi32>
        %gather3A_361 = tpu.dynamic_gather %get3A_234[%gather3A_360] in [0] : vector<16xf32>, vector<16xi32> -> vector<16xf32>
        %get3A_362 = arith.constant 14 : i32
        %get3A_363 = arith.index_cast %get3A_362 : i32 to index
        %get3A_364 = arith.index_cast %mul3A_232 : i32 to index
        %get3A_365 = tpu.vector_load %arg5[%get3A_363, %get3A_364] {strides = array<i32>} : memref<64x128xf32, #tpu.memory_space<vmem>>, vector<1x16xf32>,
        %get3A_366 = vector.shape_cast %get3A_365 : vector<1x16xf32> to vector<16xf32>
        %mul3A_367 = arith.mulf %gather3A_361, %get3A_366 : vector<16xf32>
        %add3A_368 = arith.addf %add3A_359, %mul3A_367 : vector<16xf32>
        %gather3A_369 = vector.shape_cast %broadcast_in_dim3A_106 : vector<16x1xi32> to vector<16xi32>
        %gather3A_370 = tpu.dynamic_gather %get3A_234[%gather3A_369] in [0] : vector<16xf32>, vector<16xi32> -> vector<16xf32>
        %get3A_371 = arith.constant 15 : i32
        %get3A_372 = arith.index_cast %get3A_371 : i32 to index
        %get3A_373 = arith.index_cast %mul3A_232 : i32 to index
        %get3A_374 = tpu.vector_load %arg5[%get3A_372, %get3A_373] {strides = array<i32>} : memref<64x128xf32, #tpu.memory_space<vmem>>, vector<1x16xf32>,
        %get3A_375 = vector.shape_cast %get3A_374 : vector<1x16xf32> to vector<16xf32>
        %mul3A_376 = arith.mulf %gather3A_370, %get3A_375 : vector<16xf32>
        %add3A_377 = arith.addf %add3A_368, %mul3A_376 : vector<16xf32>
        %get3A_378 = arith.constant 16 : index
        %get3A_379 = tpu.vector_load %arg7[%get3A_378] {strides = array<i32>} : memref<64xf32, #tpu.memory_space<vmem>>, vector<16xf32>,
        %get3A_380 = vector.shape_cast %get3A_379 : vector<16xf32> to vector<16xf32>
        %gather3A_381 = vector.shape_cast %broadcast_in_dim3A_76 : vector<16x1xi32> to vector<16xi32>
        %gather3A_382 = tpu.dynamic_gather %get3A_380[%gather3A_381] in [0] : vector<16xf32>, vector<16xi32> -> vector<16xf32>
        %get3A_383 = arith.constant 16 : i32
        %get3A_384 = arith.index_cast %get3A_383 : i32 to index
        %get3A_385 = arith.index_cast %mul3A_232 : i32 to index
        %get3A_386 = tpu.vector_load %arg5[%get3A_384, %get3A_385] {strides = array<i32>} : memref<64x128xf32, #tpu.memory_space<vmem>>, vector<1x16xf32>,
        %get3A_387 = vector.shape_cast %get3A_386 : vector<1x16xf32> to vector<16xf32>
        %mul3A_388 = arith.mulf %gather3A_382, %get3A_387 : vector<16xf32>
        %add3A_389 = arith.addf %add3A_377, %mul3A_388 : vector<16xf32>
        %gather3A_390 = vector.shape_cast %broadcast_in_dim3A_78 : vector<16x1xi32> to vector<16xi32>
        %gather3A_391 = tpu.dynamic_gather %get3A_380[%gather3A_390] in [0] : vector<16xf32>, vector<16xi32> -> vector<16xf32>
        %get3A_392 = arith.constant 17 : i32
        %get3A_393 = arith.index_cast %get3A_392 : i32 to index
        %get3A_394 = arith.index_cast %mul3A_232 : i32 to index
        %get3A_395 = tpu.vector_load %arg5[%get3A_393, %get3A_394] {strides = array<i32>} : memref<64x128xf32, #tpu.memory_space<vmem>>, vector<1x16xf32>,
        %get3A_396 = vector.shape_cast %get3A_395 : vector<1x16xf32> to vector<16xf32>
        %mul3A_397 = arith.mulf %gather3A_391, %get3A_396 : vector<16xf32>
        %add3A_398 = arith.addf %add3A_389, %mul3A_397 : vector<16xf32>
        %gather3A_399 = vector.shape_cast %broadcast_in_dim3A_80 : vector<16x1xi32> to vector<16xi32>
        %gather3A_400 = tpu.dynamic_gather %get3A_380[%gather3A_399] in [0] : vector<16xf32>, vector<16xi32> -> vector<16xf32>
        %get3A_401 = arith.constant 18 : i32
        %get3A_402 = arith.index_cast %get3A_401 : i32 to index
        %get3A_403 = arith.index_cast %mul3A_232 : i32 to index
        %get3A_404 = tpu.vector_load %arg5[%get3A_402, %get3A_403] {strides = array<i32>} : memref<64x128xf32, #tpu.memory_space<vmem>>, vector<1x16xf32>,
        %get3A_405 = vector.shape_cast %get3A_404 : vector<1x16xf32> to vector<16xf32>
        %mul3A_406 = arith.mulf %gather3A_400, %get3A_405 : vector<16xf32>
        %add3A_407 = arith.addf %add3A_398, %mul3A_406 : vector<16xf32>
        %gather3A_408 = vector.shape_cast %broadcast_in_dim3A_82 : vector<16x1xi32> to vector<16xi32>
        %gather3A_409 = tpu.dynamic_gather %get3A_380[%gather3A_408] in [0] : vector<16xf32>, vector<16xi32> -> vector<16xf32>
        %get3A_410 = arith.constant 19 : i32
        %get3A_411 = arith.index_cast %get3A_410 : i32 to index
        %get3A_412 = arith.index_cast %mul3A_232 : i32 to index
        %get3A_413 = tpu.vector_load %arg5[%get3A_411, %get3A_412] {strides = array<i32>} : memref<64x128xf32, #tpu.memory_space<vmem>>, vector<1x16xf32>,
        %get3A_414 = vector.shape_cast %get3A_413 : vector<1x16xf32> to vector<16xf32>
        %mul3A_415 = arith.mulf %gather3A_409, %get3A_414 : vector<16xf32>
        %add3A_416 = arith.addf %add3A_407, %mul3A_415 : vector<16xf32>
        %gather3A_417 = vector.shape_cast %broadcast_in_dim3A_84 : vector<16x1xi32> to vector<16xi32>
        %gather3A_418 = tpu.dynamic_gather %get3A_380[%gather3A_417] in [0] : vector<16xf32>, vector<16xi32> -> vector<16xf32>
        %get3A_419 = arith.constant 20 : i32
        %get3A_420 = arith.index_cast %get3A_419 : i32 to index
        %get3A_421 = arith.index_cast %mul3A_232 : i32 to index
        %get3A_422 = tpu.vector_load %arg5[%get3A_420, %get3A_421] {strides = array<i32>} : memref<64x128xf32, #tpu.memory_space<vmem>>, vector<1x16xf32>,
        %get3A_423 = vector.shape_cast %get3A_422 : vector<1x16xf32> to vector<16xf32>
        %mul3A_424 = arith.mulf %gather3A_418, %get3A_423 : vector<16xf32>
        %add3A_425 = arith.addf %add3A_416, %mul3A_424 : vector<16xf32>
        %gather3A_426 = vector.shape_cast %broadcast_in_dim3A_86 : vector<16x1xi32> to vector<16xi32>
        %gather3A_427 = tpu.dynamic_gather %get3A_380[%gather3A_426] in [0] : vector<16xf32>, vector<16xi32> -> vector<16xf32>
        %get3A_428 = arith.constant 21 : i32
        %get3A_429 = arith.index_cast %get3A_428 : i32 to index
        %get3A_430 = arith.index_cast %mul3A_232 : i32 to index
        %get3A_431 = tpu.vector_load %arg5[%get3A_429, %get3A_430] {strides = array<i32>} : memref<64x128xf32, #tpu.memory_space<vmem>>, vector<1x16xf32>,
        %get3A_432 = vector.shape_cast %get3A_431 : vector<1x16xf32> to vector<16xf32>
        %mul3A_433 = arith.mulf %gather3A_427, %get3A_432 : vector<16xf32>
        %add3A_434 = arith.addf %add3A_425, %mul3A_433 : vector<16xf32>
        %gather3A_435 = vector.shape_cast %broadcast_in_dim3A_88 : vector<16x1xi32> to vector<16xi32>
        %gather3A_436 = tpu.dynamic_gather %get3A_380[%gather3A_435] in [0] : vector<16xf32>, vector<16xi32> -> vector<16xf32>
        %get3A_437 = arith.constant 22 : i32
        %get3A_438 = arith.index_cast %get3A_437 : i32 to index
        %get3A_439 = arith.index_cast %mul3A_232 : i32 to index
        %get3A_440 = tpu.vector_load %arg5[%get3A_438, %get3A_439] {strides = array<i32>} : memref<64x128xf32, #tpu.memory_space<vmem>>, vector<1x16xf32>,
        %get3A_441 = vector.shape_cast %get3A_440 : vector<1x16xf32> to vector<16xf32>
        %mul3A_442 = arith.mulf %gather3A_436, %get3A_441 : vector<16xf32>
        %add3A_443 = arith.addf %add3A_434, %mul3A_442 : vector<16xf32>
        %gather3A_444 = vector.shape_cast %broadcast_in_dim3A_90 : vector<16x1xi32> to vector<16xi32>
        %gather3A_445 = tpu.dynamic_gather %get3A_380[%gather3A_444] in [0] : vector<16xf32>, vector<16xi32> -> vector<16xf32>
        %get3A_446 = arith.constant 23 : i32
        %get3A_447 = arith.index_cast %get3A_446 : i32 to index
        %get3A_448 = arith.index_cast %mul3A_232 : i32 to index
        %get3A_449 = tpu.vector_load %arg5[%get3A_447, %get3A_448] {strides = array<i32>} : memref<64x128xf32, #tpu.memory_space<vmem>>, vector<1x16xf32>,
        %get3A_450 = vector.shape_cast %get3A_449 : vector<1x16xf32> to vector<16xf32>
        %mul3A_451 = arith.mulf %gather3A_445, %get3A_450 : vector<16xf32>
        %add3A_452 = arith.addf %add3A_443, %mul3A_451 : vector<16xf32>
        %gather3A_453 = vector.shape_cast %broadcast_in_dim3A_92 : vector<16x1xi32> to vector<16xi32>
        %gather3A_454 = tpu.dynamic_gather %get3A_380[%gather3A_453] in [0] : vector<16xf32>, vector<16xi32> -> vector<16xf32>
        %get3A_455 = arith.constant 24 : i32
        %get3A_456 = arith.index_cast %get3A_455 : i32 to index
        %get3A_457 = arith.index_cast %mul3A_232 : i32 to index
        %get3A_458 = tpu.vector_load %arg5[%get3A_456, %get3A_457] {strides = array<i32>} : memref<64x128xf32, #tpu.memory_space<vmem>>, vector<1x16xf32>,
        %get3A_459 = vector.shape_cast %get3A_458 : vector<1x16xf32> to vector<16xf32>
        %mul3A_460 = arith.mulf %gather3A_454, %get3A_459 : vector<16xf32>
        %add3A_461 = arith.addf %add3A_452, %mul3A_460 : vector<16xf32>
        %gather3A_462 = vector.shape_cast %broadcast_in_dim3A_94 : vector<16x1xi32> to vector<16xi32>
        %gather3A_463 = tpu.dynamic_gather %get3A_380[%gather3A_462] in [0] : vector<16xf32>, vector<16xi32> -> vector<16xf32>
        %get3A_464 = arith.constant 25 : i32
        %get3A_465 = arith.index_cast %get3A_464 : i32 to index
        %get3A_466 = arith.index_cast %mul3A_232 : i32 to index
        %get3A_467 = tpu.vector_load %arg5[%get3A_465, %get3A_466] {strides = array<i32>} : memref<64x128xf32, #tpu.memory_space<vmem>>, vector<1x16xf32>,
        %get3A_468 = vector.shape_cast %get3A_467 : vector<1x16xf32> to vector<16xf32>
        %mul3A_469 = arith.mulf %gather3A_463, %get3A_468 : vector<16xf32>
        %add3A_470 = arith.addf %add3A_461, %mul3A_469 : vector<16xf32>
        %gather3A_471 = vector.shape_cast %broadcast_in_dim3A_96 : vector<16x1xi32> to vector<16xi32>
        %gather3A_472 = tpu.dynamic_gather %get3A_380[%gather3A_471] in [0] : vector<16xf32>, vector<16xi32> -> vector<16xf32>
        %get3A_473 = arith.constant 26 : i32
        %get3A_474 = arith.index_cast %get3A_473 : i32 to index
        %get3A_475 = arith.index_cast %mul3A_232 : i32 to index
        %get3A_476 = tpu.vector_load %arg5[%get3A_474, %get3A_475] {strides = array<i32>} : memref<64x128xf32, #tpu.memory_space<vmem>>, vector<1x16xf32>,
        %get3A_477 = vector.shape_cast %get3A_476 : vector<1x16xf32> to vector<16xf32>
        %mul3A_478 = arith.mulf %gather3A_472, %get3A_477 : vector<16xf32>
        %add3A_479 = arith.addf %add3A_470, %mul3A_478 : vector<16xf32>
        %gather3A_480 = vector.shape_cast %broadcast_in_dim3A_98 : vector<16x1xi32> to vector<16xi32>
        %gather3A_481 = tpu.dynamic_gather %get3A_380[%gather3A_480] in [0] : vector<16xf32>, vector<16xi32> -> vector<16xf32>
        %get3A_482 = arith.constant 27 : i32
        %get3A_483 = arith.index_cast %get3A_482 : i32 to index
        %get3A_484 = arith.index_cast %mul3A_232 : i32 to index
        %get3A_485 = tpu.vector_load %arg5[%get3A_483, %get3A_484] {strides = array<i32>} : memref<64x128xf32, #tpu.memory_space<vmem>>, vector<1x16xf32>,
        %get3A_486 = vector.shape_cast %get3A_485 : vector<1x16xf32> to vector<16xf32>
        %mul3A_487 = arith.mulf %gather3A_481, %get3A_486 : vector<16xf32>
        %add3A_488 = arith.addf %add3A_479, %mul3A_487 : vector<16xf32>
        %gather3A_489 = vector.shape_cast %broadcast_in_dim3A_100 : vector<16x1xi32> to vector<16xi32>
        %gather3A_490 = tpu.dynamic_gather %get3A_380[%gather3A_489] in [0] : vector<16xf32>, vector<16xi32> -> vector<16xf32>
        %get3A_491 = arith.constant 28 : i32
        %get3A_492 = arith.index_cast %get3A_491 : i32 to index
        %get3A_493 = arith.index_cast %mul3A_232 : i32 to index
        %get3A_494 = tpu.vector_load %arg5[%get3A_492, %get3A_493] {strides = array<i32>} : memref<64x128xf32, #tpu.memory_space<vmem>>, vector<1x16xf32>,
        %get3A_495 = vector.shape_cast %get3A_494 : vector<1x16xf32> to vector<16xf32>
        %mul3A_496 = arith.mulf %gather3A_490, %get3A_495 : vector<16xf32>
        %add3A_497 = arith.addf %add3A_488, %mul3A_496 : vector<16xf32>
        %gather3A_498 = vector.shape_cast %broadcast_in_dim3A_102 : vector<16x1xi32> to vector<16xi32>
        %gather3A_499 = tpu.dynamic_gather %get3A_380[%gather3A_498] in [0] : vector<16xf32>, vector<16xi32> -> vector<16xf32>
        %get3A_500 = arith.constant 29 : i32
        %get3A_501 = arith.index_cast %get3A_500 : i32 to index
        %get3A_502 = arith.index_cast %mul3A_232 : i32 to index
        %get3A_503 = tpu.vector_load %arg5[%get3A_501, %get3A_502] {strides = array<i32>} : memref<64x128xf32, #tpu.memory_space<vmem>>, vector<1x16xf32>,
        %get3A_504 = vector.shape_cast %get3A_503 : vector<1x16xf32> to vector<16xf32>
        %mul3A_505 = arith.mulf %gather3A_499, %get3A_504 : vector<16xf32>
        %add3A_506 = arith.addf %add3A_497, %mul3A_505 : vector<16xf32>
        %gather3A_507 = vector.shape_cast %broadcast_in_dim3A_104 : vector<16x1xi32> to vector<16xi32>
        %gather3A_508 = tpu.dynamic_gather %get3A_380[%gather3A_507] in [0] : vector<16xf32>, vector<16xi32> -> vector<16xf32>
        %get3A_509 = arith.constant 30 : i32
        %get3A_510 = arith.index_cast %get3A_509 : i32 to index
        %get3A_511 = arith.index_cast %mul3A_232 : i32 to index
        %get3A_512 = tpu.vector_load %arg5[%get3A_510, %get3A_511] {strides = array<i32>} : memref<64x128xf32, #tpu.memory_space<vmem>>, vector<1x16xf32>,
        %get3A_513 = vector.shape_cast %get3A_512 : vector<1x16xf32> to vector<16xf32>
        %mul3A_514 = arith.mulf %gather3A_508, %get3A_513 : vector<16xf32>
        %add3A_515 = arith.addf %add3A_506, %mul3A_514 : vector<16xf32>
        %gather3A_516 = vector.shape_cast %broadcast_in_dim3A_106 : vector<16x1xi32> to vector<16xi32>
        %gather3A_517 = tpu.dynamic_gather %get3A_380[%gather3A_516] in [0] : vector<16xf32>, vector<16xi32> -> vector<16xf32>
        %get3A_518 = arith.constant 31 : i32
        %get3A_519 = arith.index_cast %get3A_518 : i32 to index
        %get3A_520 = arith.index_cast %mul3A_232 : i32 to index
        %get3A_521 = tpu.vector_load %arg5[%get3A_519, %get3A_520] {strides = array<i32>} : memref<64x128xf32, #tpu.memory_space<vmem>>, vector<1x16xf32>,
        %get3A_522 = vector.shape_cast %get3A_521 : vector<1x16xf32> to vector<16xf32>
        %mul3A_523 = arith.mulf %gather3A_517, %get3A_522 : vector<16xf32>
        %add3A_524 = arith.addf %add3A_515, %mul3A_523 : vector<16xf32>
        %get3A_525 = arith.constant 32 : index
        %get3A_526 = tpu.vector_load %arg7[%get3A_525] {strides = array<i32>} : memref<64xf32, #tpu.memory_space<vmem>>, vector<16xf32>,
        %get3A_527 = vector.shape_cast %get3A_526 : vector<16xf32> to vector<16xf32>
        %gather3A_528 = vector.shape_cast %broadcast_in_dim3A_76 : vector<16x1xi32> to vector<16xi32>
        %gather3A_529 = tpu.dynamic_gather %get3A_527[%gather3A_528] in [0] : vector<16xf32>, vector<16xi32> -> vector<16xf32>
        %get3A_530 = arith.constant 32 : i32
        %get3A_531 = arith.index_cast %get3A_530 : i32 to index
        %get3A_532 = arith.index_cast %mul3A_232 : i32 to index
        %get3A_533 = tpu.vector_load %arg5[%get3A_531, %get3A_532] {strides = array<i32>} : memref<64x128xf32, #tpu.memory_space<vmem>>, vector<1x16xf32>,
        %get3A_534 = vector.shape_cast %get3A_533 : vector<1x16xf32> to vector<16xf32>
        %mul3A_535 = arith.mulf %gather3A_529, %get3A_534 : vector<16xf32>
        %add3A_536 = arith.addf %add3A_524, %mul3A_535 : vector<16xf32>
        %gather3A_537 = vector.shape_cast %broadcast_in_dim3A_78 : vector<16x1xi32> to vector<16xi32>
        %gather3A_538 = tpu.dynamic_gather %get3A_527[%gather3A_537] in [0] : vector<16xf32>, vector<16xi32> -> vector<16xf32>
        %get3A_539 = arith.constant 33 : i32
        %get3A_540 = arith.index_cast %get3A_539 : i32 to index
        %get3A_541 = arith.index_cast %mul3A_232 : i32 to index
        %get3A_542 = tpu.vector_load %arg5[%get3A_540, %get3A_541] {strides = array<i32>} : memref<64x128xf32, #tpu.memory_space<vmem>>, vector<1x16xf32>,
        %get3A_543 = vector.shape_cast %get3A_542 : vector<1x16xf32> to vector<16xf32>
        %mul3A_544 = arith.mulf %gather3A_538, %get3A_543 : vector<16xf32>
        %add3A_545 = arith.addf %add3A_536, %mul3A_544 : vector<16xf32>
        %gather3A_546 = vector.shape_cast %broadcast_in_dim3A_80 : vector<16x1xi32> to vector<16xi32>
        %gather3A_547 = tpu.dynamic_gather %get3A_527[%gather3A_546] in [0] : vector<16xf32>, vector<16xi32> -> vector<16xf32>
        %get3A_548 = arith.constant 34 : i32
        %get3A_549 = arith.index_cast %get3A_548 : i32 to index
        %get3A_550 = arith.index_cast %mul3A_232 : i32 to index
        %get3A_551 = tpu.vector_load %arg5[%get3A_549, %get3A_550] {strides = array<i32>} : memref<64x128xf32, #tpu.memory_space<vmem>>, vector<1x16xf32>,
        %get3A_552 = vector.shape_cast %get3A_551 : vector<1x16xf32> to vector<16xf32>
        %mul3A_553 = arith.mulf %gather3A_547, %get3A_552 : vector<16xf32>
        %add3A_554 = arith.addf %add3A_545, %mul3A_553 : vector<16xf32>
        %gather3A_555 = vector.shape_cast %broadcast_in_dim3A_82 : vector<16x1xi32> to vector<16xi32>
        %gather3A_556 = tpu.dynamic_gather %get3A_527[%gather3A_555] in [0] : vector<16xf32>, vector<16xi32> -> vector<16xf32>
        %get3A_557 = arith.constant 35 : i32
        %get3A_558 = arith.index_cast %get3A_557 : i32 to index
        %get3A_559 = arith.index_cast %mul3A_232 : i32 to index
        %get3A_560 = tpu.vector_load %arg5[%get3A_558, %get3A_559] {strides = array<i32>} : memref<64x128xf32, #tpu.memory_space<vmem>>, vector<1x16xf32>,
        %get3A_561 = vector.shape_cast %get3A_560 : vector<1x16xf32> to vector<16xf32>
        %mul3A_562 = arith.mulf %gather3A_556, %get3A_561 : vector<16xf32>
        %add3A_563 = arith.addf %add3A_554, %mul3A_562 : vector<16xf32>
        %gather3A_564 = vector.shape_cast %broadcast_in_dim3A_84 : vector<16x1xi32> to vector<16xi32>
        %gather3A_565 = tpu.dynamic_gather %get3A_527[%gather3A_564] in [0] : vector<16xf32>, vector<16xi32> -> vector<16xf32>
        %get3A_566 = arith.constant 36 : i32
        %get3A_567 = arith.index_cast %get3A_566 : i32 to index
        %get3A_568 = arith.index_cast %mul3A_232 : i32 to index
        %get3A_569 = tpu.vector_load %arg5[%get3A_567, %get3A_568] {strides = array<i32>} : memref<64x128xf32, #tpu.memory_space<vmem>>, vector<1x16xf32>,
        %get3A_570 = vector.shape_cast %get3A_569 : vector<1x16xf32> to vector<16xf32>
        %mul3A_571 = arith.mulf %gather3A_565, %get3A_570 : vector<16xf32>
        %add3A_572 = arith.addf %add3A_563, %mul3A_571 : vector<16xf32>
        %gather3A_573 = vector.shape_cast %broadcast_in_dim3A_86 : vector<16x1xi32> to vector<16xi32>
        %gather3A_574 = tpu.dynamic_gather %get3A_527[%gather3A_573] in [0] : vector<16xf32>, vector<16xi32> -> vector<16xf32>
        %get3A_575 = arith.constant 37 : i32
        %get3A_576 = arith.index_cast %get3A_575 : i32 to index
        %get3A_577 = arith.index_cast %mul3A_232 : i32 to index
        %get3A_578 = tpu.vector_load %arg5[%get3A_576, %get3A_577] {strides = array<i32>} : memref<64x128xf32, #tpu.memory_space<vmem>>, vector<1x16xf32>,
        %get3A_579 = vector.shape_cast %get3A_578 : vector<1x16xf32> to vector<16xf32>
        %mul3A_580 = arith.mulf %gather3A_574, %get3A_579 : vector<16xf32>
        %add3A_581 = arith.addf %add3A_572, %mul3A_580 : vector<16xf32>
        %gather3A_582 = vector.shape_cast %broadcast_in_dim3A_88 : vector<16x1xi32> to vector<16xi32>
        %gather3A_583 = tpu.dynamic_gather %get3A_527[%gather3A_582] in [0] : vector<16xf32>, vector<16xi32> -> vector<16xf32>
        %get3A_584 = arith.constant 38 : i32
        %get3A_585 = arith.index_cast %get3A_584 : i32 to index
        %get3A_586 = arith.index_cast %mul3A_232 : i32 to index
        %get3A_587 = tpu.vector_load %arg5[%get3A_585, %get3A_586] {strides = array<i32>} : memref<64x128xf32, #tpu.memory_space<vmem>>, vector<1x16xf32>,
        %get3A_588 = vector.shape_cast %get3A_587 : vector<1x16xf32> to vector<16xf32>
        %mul3A_589 = arith.mulf %gather3A_583, %get3A_588 : vector<16xf32>
        %add3A_590 = arith.addf %add3A_581, %mul3A_589 : vector<16xf32>
        %gather3A_591 = vector.shape_cast %broadcast_in_dim3A_90 : vector<16x1xi32> to vector<16xi32>
        %gather3A_592 = tpu.dynamic_gather %get3A_527[%gather3A_591] in [0] : vector<16xf32>, vector<16xi32> -> vector<16xf32>
        %get3A_593 = arith.constant 39 : i32
        %get3A_594 = arith.index_cast %get3A_593 : i32 to index
        %get3A_595 = arith.index_cast %mul3A_232 : i32 to index
        %get3A_596 = tpu.vector_load %arg5[%get3A_594, %get3A_595] {strides = array<i32>} : memref<64x128xf32, #tpu.memory_space<vmem>>, vector<1x16xf32>,
        %get3A_597 = vector.shape_cast %get3A_596 : vector<1x16xf32> to vector<16xf32>
        %mul3A_598 = arith.mulf %gather3A_592, %get3A_597 : vector<16xf32>
        %add3A_599 = arith.addf %add3A_590, %mul3A_598 : vector<16xf32>
        %gather3A_600 = vector.shape_cast %broadcast_in_dim3A_92 : vector<16x1xi32> to vector<16xi32>
        %gather3A_601 = tpu.dynamic_gather %get3A_527[%gather3A_600] in [0] : vector<16xf32>, vector<16xi32> -> vector<16xf32>
        %get3A_602 = arith.constant 40 : i32
        %get3A_603 = arith.index_cast %get3A_602 : i32 to index
        %get3A_604 = arith.index_cast %mul3A_232 : i32 to index
        %get3A_605 = tpu.vector_load %arg5[%get3A_603, %get3A_604] {strides = array<i32>} : memref<64x128xf32, #tpu.memory_space<vmem>>, vector<1x16xf32>,
        %get3A_606 = vector.shape_cast %get3A_605 : vector<1x16xf32> to vector<16xf32>
        %mul3A_607 = arith.mulf %gather3A_601, %get3A_606 : vector<16xf32>
        %add3A_608 = arith.addf %add3A_599, %mul3A_607 : vector<16xf32>
        %gather3A_609 = vector.shape_cast %broadcast_in_dim3A_94 : vector<16x1xi32> to vector<16xi32>
        %gather3A_610 = tpu.dynamic_gather %get3A_527[%gather3A_609] in [0] : vector<16xf32>, vector<16xi32> -> vector<16xf32>
        %get3A_611 = arith.constant 41 : i32
        %get3A_612 = arith.index_cast %get3A_611 : i32 to index
        %get3A_613 = arith.index_cast %mul3A_232 : i32 to index
        %get3A_614 = tpu.vector_load %arg5[%get3A_612, %get3A_613] {strides = array<i32>} : memref<64x128xf32, #tpu.memory_space<vmem>>, vector<1x16xf32>,
        %get3A_615 = vector.shape_cast %get3A_614 : vector<1x16xf32> to vector<16xf32>
        %mul3A_616 = arith.mulf %gather3A_610, %get3A_615 : vector<16xf32>
        %add3A_617 = arith.addf %add3A_608, %mul3A_616 : vector<16xf32>
        %gather3A_618 = vector.shape_cast %broadcast_in_dim3A_96 : vector<16x1xi32> to vector<16xi32>
        %gather3A_619 = tpu.dynamic_gather %get3A_527[%gather3A_618] in [0] : vector<16xf32>, vector<16xi32> -> vector<16xf32>
        %get3A_620 = arith.constant 42 : i32
        %get3A_621 = arith.index_cast %get3A_620 : i32 to index
        %get3A_622 = arith.index_cast %mul3A_232 : i32 to index
        %get3A_623 = tpu.vector_load %arg5[%get3A_621, %get3A_622] {strides = array<i32>} : memref<64x128xf32, #tpu.memory_space<vmem>>, vector<1x16xf32>,
        %get3A_624 = vector.shape_cast %get3A_623 : vector<1x16xf32> to vector<16xf32>
        %mul3A_625 = arith.mulf %gather3A_619, %get3A_624 : vector<16xf32>
        %add3A_626 = arith.addf %add3A_617, %mul3A_625 : vector<16xf32>
        %gather3A_627 = vector.shape_cast %broadcast_in_dim3A_98 : vector<16x1xi32> to vector<16xi32>
        %gather3A_628 = tpu.dynamic_gather %get3A_527[%gather3A_627] in [0] : vector<16xf32>, vector<16xi32> -> vector<16xf32>
        %get3A_629 = arith.constant 43 : i32
        %get3A_630 = arith.index_cast %get3A_629 : i32 to index
        %get3A_631 = arith.index_cast %mul3A_232 : i32 to index
        %get3A_632 = tpu.vector_load %arg5[%get3A_630, %get3A_631] {strides = array<i32>} : memref<64x128xf32, #tpu.memory_space<vmem>>, vector<1x16xf32>,
        %get3A_633 = vector.shape_cast %get3A_632 : vector<1x16xf32> to vector<16xf32>
        %mul3A_634 = arith.mulf %gather3A_628, %get3A_633 : vector<16xf32>
        %add3A_635 = arith.addf %add3A_626, %mul3A_634 : vector<16xf32>
        %gather3A_636 = vector.shape_cast %broadcast_in_dim3A_100 : vector<16x1xi32> to vector<16xi32>
        %gather3A_637 = tpu.dynamic_gather %get3A_527[%gather3A_636] in [0] : vector<16xf32>, vector<16xi32> -> vector<16xf32>
        %get3A_638 = arith.constant 44 : i32
        %get3A_639 = arith.index_cast %get3A_638 : i32 to index
        %get3A_640 = arith.index_cast %mul3A_232 : i32 to index
        %get3A_641 = tpu.vector_load %arg5[%get3A_639, %get3A_640] {strides = array<i32>} : memref<64x128xf32, #tpu.memory_space<vmem>>, vector<1x16xf32>,
        %get3A_642 = vector.shape_cast %get3A_641 : vector<1x16xf32> to vector<16xf32>
        %mul3A_643 = arith.mulf %gather3A_637, %get3A_642 : vector<16xf32>
        %add3A_644 = arith.addf %add3A_635, %mul3A_643 : vector<16xf32>
        %gather3A_645 = vector.shape_cast %broadcast_in_dim3A_102 : vector<16x1xi32> to vector<16xi32>
        %gather3A_646 = tpu.dynamic_gather %get3A_527[%gather3A_645] in [0] : vector<16xf32>, vector<16xi32> -> vector<16xf32>
        %get3A_647 = arith.constant 45 : i32
        %get3A_648 = arith.index_cast %get3A_647 : i32 to index
        %get3A_649 = arith.index_cast %mul3A_232 : i32 to index
        %get3A_650 = tpu.vector_load %arg5[%get3A_648, %get3A_649] {strides = array<i32>} : memref<64x128xf32, #tpu.memory_space<vmem>>, vector<1x16xf32>,
        %get3A_651 = vector.shape_cast %get3A_650 : vector<1x16xf32> to vector<16xf32>
        %mul3A_652 = arith.mulf %gather3A_646, %get3A_651 : vector<16xf32>
        %add3A_653 = arith.addf %add3A_644, %mul3A_652 : vector<16xf32>
        %gather3A_654 = vector.shape_cast %broadcast_in_dim3A_104 : vector<16x1xi32> to vector<16xi32>
        %gather3A_655 = tpu.dynamic_gather %get3A_527[%gather3A_654] in [0] : vector<16xf32>, vector<16xi32> -> vector<16xf32>
        %get3A_656 = arith.constant 46 : i32
        %get3A_657 = arith.index_cast %get3A_656 : i32 to index
        %get3A_658 = arith.index_cast %mul3A_232 : i32 to index
        %get3A_659 = tpu.vector_load %arg5[%get3A_657, %get3A_658] {strides = array<i32>} : memref<64x128xf32, #tpu.memory_space<vmem>>, vector<1x16xf32>,
        %get3A_660 = vector.shape_cast %get3A_659 : vector<1x16xf32> to vector<16xf32>
        %mul3A_661 = arith.mulf %gather3A_655, %get3A_660 : vector<16xf32>
        %add3A_662 = arith.addf %add3A_653, %mul3A_661 : vector<16xf32>
        %gather3A_663 = vector.shape_cast %broadcast_in_dim3A_106 : vector<16x1xi32> to vector<16xi32>
        %gather3A_664 = tpu.dynamic_gather %get3A_527[%gather3A_663] in [0] : vector<16xf32>, vector<16xi32> -> vector<16xf32>
        %get3A_665 = arith.constant 47 : i32
        %get3A_666 = arith.index_cast %get3A_665 : i32 to index
        %get3A_667 = arith.index_cast %mul3A_232 : i32 to index
        %get3A_668 = tpu.vector_load %arg5[%get3A_666, %get3A_667] {strides = array<i32>} : memref<64x128xf32, #tpu.memory_space<vmem>>, vector<1x16xf32>,
        %get3A_669 = vector.shape_cast %get3A_668 : vector<1x16xf32> to vector<16xf32>
        %mul3A_670 = arith.mulf %gather3A_664, %get3A_669 : vector<16xf32>
        %add3A_671 = arith.addf %add3A_662, %mul3A_670 : vector<16xf32>
        %get3A_672 = arith.constant 48 : index
        %get3A_673 = tpu.vector_load %arg7[%get3A_672] {strides = array<i32>} : memref<64xf32, #tpu.memory_space<vmem>>, vector<16xf32>,
        %get3A_674 = vector.shape_cast %get3A_673 : vector<16xf32> to vector<16xf32>
        %gather3A_675 = vector.shape_cast %broadcast_in_dim3A_76 : vector<16x1xi32> to vector<16xi32>
        %gather3A_676 = tpu.dynamic_gather %get3A_674[%gather3A_675] in [0] : vector<16xf32>, vector<16xi32> -> vector<16xf32>
        %get3A_677 = arith.constant 48 : i32
        %get3A_678 = arith.index_cast %get3A_677 : i32 to index
        %get3A_679 = arith.index_cast %mul3A_232 : i32 to index
        %get3A_680 = tpu.vector_load %arg5[%get3A_678, %get3A_679] {strides = array<i32>} : memref<64x128xf32, #tpu.memory_space<vmem>>, vector<1x16xf32>,
        %get3A_681 = vector.shape_cast %get3A_680 : vector<1x16xf32> to vector<16xf32>
        %mul3A_682 = arith.mulf %gather3A_676, %get3A_681 : vector<16xf32>
        %add3A_683 = arith.addf %add3A_671, %mul3A_682 : vector<16xf32>
        %gather3A_684 = vector.shape_cast %broadcast_in_dim3A_78 : vector<16x1xi32> to vector<16xi32>
        %gather3A_685 = tpu.dynamic_gather %get3A_674[%gather3A_684] in [0] : vector<16xf32>, vector<16xi32> -> vector<16xf32>
        %get3A_686 = arith.constant 49 : i32
        %get3A_687 = arith.index_cast %get3A_686 : i32 to index
        %get3A_688 = arith.index_cast %mul3A_232 : i32 to index
        %get3A_689 = tpu.vector_load %arg5[%get3A_687, %get3A_688] {strides = array<i32>} : memref<64x128xf32, #tpu.memory_space<vmem>>, vector<1x16xf32>,
        %get3A_690 = vector.shape_cast %get3A_689 : vector<1x16xf32> to vector<16xf32>
        %mul3A_691 = arith.mulf %gather3A_685, %get3A_690 : vector<16xf32>
        %add3A_692 = arith.addf %add3A_683, %mul3A_691 : vector<16xf32>
        %gather3A_693 = vector.shape_cast %broadcast_in_dim3A_80 : vector<16x1xi32> to vector<16xi32>
        %gather3A_694 = tpu.dynamic_gather %get3A_674[%gather3A_693] in [0] : vector<16xf32>, vector<16xi32> -> vector<16xf32>
        %get3A_695 = arith.constant 50 : i32
        %get3A_696 = arith.index_cast %get3A_695 : i32 to index
        %get3A_697 = arith.index_cast %mul3A_232 : i32 to index
        %get3A_698 = tpu.vector_load %arg5[%get3A_696, %get3A_697] {strides = array<i32>} : memref<64x128xf32, #tpu.memory_space<vmem>>, vector<1x16xf32>,
        %get3A_699 = vector.shape_cast %get3A_698 : vector<1x16xf32> to vector<16xf32>
        %mul3A_700 = arith.mulf %gather3A_694, %get3A_699 : vector<16xf32>
        %add3A_701 = arith.addf %add3A_692, %mul3A_700 : vector<16xf32>
        %gather3A_702 = vector.shape_cast %broadcast_in_dim3A_82 : vector<16x1xi32> to vector<16xi32>
        %gather3A_703 = tpu.dynamic_gather %get3A_674[%gather3A_702] in [0] : vector<16xf32>, vector<16xi32> -> vector<16xf32>
        %get3A_704 = arith.constant 51 : i32
        %get3A_705 = arith.index_cast %get3A_704 : i32 to index
        %get3A_706 = arith.index_cast %mul3A_232 : i32 to index
        %get3A_707 = tpu.vector_load %arg5[%get3A_705, %get3A_706] {strides = array<i32>} : memref<64x128xf32, #tpu.memory_space<vmem>>, vector<1x16xf32>,
        %get3A_708 = vector.shape_cast %get3A_707 : vector<1x16xf32> to vector<16xf32>
        %mul3A_709 = arith.mulf %gather3A_703, %get3A_708 : vector<16xf32>
        %add3A_710 = arith.addf %add3A_701, %mul3A_709 : vector<16xf32>
        %gather3A_711 = vector.shape_cast %broadcast_in_dim3A_84 : vector<16x1xi32> to vector<16xi32>
        %gather3A_712 = tpu.dynamic_gather %get3A_674[%gather3A_711] in [0] : vector<16xf32>, vector<16xi32> -> vector<16xf32>
        %get3A_713 = arith.constant 52 : i32
        %get3A_714 = arith.index_cast %get3A_713 : i32 to index
        %get3A_715 = arith.index_cast %mul3A_232 : i32 to index
        %get3A_716 = tpu.vector_load %arg5[%get3A_714, %get3A_715] {strides = array<i32>} : memref<64x128xf32, #tpu.memory_space<vmem>>, vector<1x16xf32>,
        %get3A_717 = vector.shape_cast %get3A_716 : vector<1x16xf32> to vector<16xf32>
        %mul3A_718 = arith.mulf %gather3A_712, %get3A_717 : vector<16xf32>
        %add3A_719 = arith.addf %add3A_710, %mul3A_718 : vector<16xf32>
        %gather3A_720 = vector.shape_cast %broadcast_in_dim3A_86 : vector<16x1xi32> to vector<16xi32>
        %gather3A_721 = tpu.dynamic_gather %get3A_674[%gather3A_720] in [0] : vector<16xf32>, vector<16xi32> -> vector<16xf32>
        %get3A_722 = arith.constant 53 : i32
        %get3A_723 = arith.index_cast %get3A_722 : i32 to index
        %get3A_724 = arith.index_cast %mul3A_232 : i32 to index
        %get3A_725 = tpu.vector_load %arg5[%get3A_723, %get3A_724] {strides = array<i32>} : memref<64x128xf32, #tpu.memory_space<vmem>>, vector<1x16xf32>,
        %get3A_726 = vector.shape_cast %get3A_725 : vector<1x16xf32> to vector<16xf32>
        %mul3A_727 = arith.mulf %gather3A_721, %get3A_726 : vector<16xf32>
        %add3A_728 = arith.addf %add3A_719, %mul3A_727 : vector<16xf32>
        %gather3A_729 = vector.shape_cast %broadcast_in_dim3A_88 : vector<16x1xi32> to vector<16xi32>
        %gather3A_730 = tpu.dynamic_gather %get3A_674[%gather3A_729] in [0] : vector<16xf32>, vector<16xi32> -> vector<16xf32>
        %get3A_731 = arith.constant 54 : i32
        %get3A_732 = arith.index_cast %get3A_731 : i32 to index
        %get3A_733 = arith.index_cast %mul3A_232 : i32 to index
        %get3A_734 = tpu.vector_load %arg5[%get3A_732, %get3A_733] {strides = array<i32>} : memref<64x128xf32, #tpu.memory_space<vmem>>, vector<1x16xf32>,
        %get3A_735 = vector.shape_cast %get3A_734 : vector<1x16xf32> to vector<16xf32>
        %mul3A_736 = arith.mulf %gather3A_730, %get3A_735 : vector<16xf32>
        %add3A_737 = arith.addf %add3A_728, %mul3A_736 : vector<16xf32>
        %gather3A_738 = vector.shape_cast %broadcast_in_dim3A_90 : vector<16x1xi32> to vector<16xi32>
        %gather3A_739 = tpu.dynamic_gather %get3A_674[%gather3A_738] in [0] : vector<16xf32>, vector<16xi32> -> vector<16xf32>
        %get3A_740 = arith.constant 55 : i32
        %get3A_741 = arith.index_cast %get3A_740 : i32 to index
        %get3A_742 = arith.index_cast %mul3A_232 : i32 to index
        %get3A_743 = tpu.vector_load %arg5[%get3A_741, %get3A_742] {strides = array<i32>} : memref<64x128xf32, #tpu.memory_space<vmem>>, vector<1x16xf32>,
        %get3A_744 = vector.shape_cast %get3A_743 : vector<1x16xf32> to vector<16xf32>
        %mul3A_745 = arith.mulf %gather3A_739, %get3A_744 : vector<16xf32>
        %add3A_746 = arith.addf %add3A_737, %mul3A_745 : vector<16xf32>
        %gather3A_747 = vector.shape_cast %broadcast_in_dim3A_92 : vector<16x1xi32> to vector<16xi32>
        %gather3A_748 = tpu.dynamic_gather %get3A_674[%gather3A_747] in [0] : vector<16xf32>, vector<16xi32> -> vector<16xf32>
        %get3A_749 = arith.constant 56 : i32
        %get3A_750 = arith.index_cast %get3A_749 : i32 to index
        %get3A_751 = arith.index_cast %mul3A_232 : i32 to index
        %get3A_752 = tpu.vector_load %arg5[%get3A_750, %get3A_751] {strides = array<i32>} : memref<64x128xf32, #tpu.memory_space<vmem>>, vector<1x16xf32>,
        %get3A_753 = vector.shape_cast %get3A_752 : vector<1x16xf32> to vector<16xf32>
        %mul3A_754 = arith.mulf %gather3A_748, %get3A_753 : vector<16xf32>
        %add3A_755 = arith.addf %add3A_746, %mul3A_754 : vector<16xf32>
        %gather3A_756 = vector.shape_cast %broadcast_in_dim3A_94 : vector<16x1xi32> to vector<16xi32>
        %gather3A_757 = tpu.dynamic_gather %get3A_674[%gather3A_756] in [0] : vector<16xf32>, vector<16xi32> -> vector<16xf32>
        %get3A_758 = arith.constant 57 : i32
        %get3A_759 = arith.index_cast %get3A_758 : i32 to index
        %get3A_760 = arith.index_cast %mul3A_232 : i32 to index
        %get3A_761 = tpu.vector_load %arg5[%get3A_759, %get3A_760] {strides = array<i32>} : memref<64x128xf32, #tpu.memory_space<vmem>>, vector<1x16xf32>,
        %get3A_762 = vector.shape_cast %get3A_761 : vector<1x16xf32> to vector<16xf32>
        %mul3A_763 = arith.mulf %gather3A_757, %get3A_762 : vector<16xf32>
        %add3A_764 = arith.addf %add3A_755, %mul3A_763 : vector<16xf32>
        %gather3A_765 = vector.shape_cast %broadcast_in_dim3A_96 : vector<16x1xi32> to vector<16xi32>
        %gather3A_766 = tpu.dynamic_gather %get3A_674[%gather3A_765] in [0] : vector<16xf32>, vector<16xi32> -> vector<16xf32>
        %get3A_767 = arith.constant 58 : i32
        %get3A_768 = arith.index_cast %get3A_767 : i32 to index
        %get3A_769 = arith.index_cast %mul3A_232 : i32 to index
        %get3A_770 = tpu.vector_load %arg5[%get3A_768, %get3A_769] {strides = array<i32>} : memref<64x128xf32, #tpu.memory_space<vmem>>, vector<1x16xf32>,
        %get3A_771 = vector.shape_cast %get3A_770 : vector<1x16xf32> to vector<16xf32>
        %mul3A_772 = arith.mulf %gather3A_766, %get3A_771 : vector<16xf32>
        %add3A_773 = arith.addf %add3A_764, %mul3A_772 : vector<16xf32>
        %gather3A_774 = vector.shape_cast %broadcast_in_dim3A_98 : vector<16x1xi32> to vector<16xi32>
        %gather3A_775 = tpu.dynamic_gather %get3A_674[%gather3A_774] in [0] : vector<16xf32>, vector<16xi32> -> vector<16xf32>
        %get3A_776 = arith.constant 59 : i32
        %get3A_777 = arith.index_cast %get3A_776 : i32 to index
        %get3A_778 = arith.index_cast %mul3A_232 : i32 to index
        %get3A_779 = tpu.vector_load %arg5[%get3A_777, %get3A_778] {strides = array<i32>} : memref<64x128xf32, #tpu.memory_space<vmem>>, vector<1x16xf32>,
        %get3A_780 = vector.shape_cast %get3A_779 : vector<1x16xf32> to vector<16xf32>
        %mul3A_781 = arith.mulf %gather3A_775, %get3A_780 : vector<16xf32>
        %add3A_782 = arith.addf %add3A_773, %mul3A_781 : vector<16xf32>
        %gather3A_783 = vector.shape_cast %broadcast_in_dim3A_100 : vector<16x1xi32> to vector<16xi32>
        %gather3A_784 = tpu.dynamic_gather %get3A_674[%gather3A_783] in [0] : vector<16xf32>, vector<16xi32> -> vector<16xf32>
        %get3A_785 = arith.constant 60 : i32
        %get3A_786 = arith.index_cast %get3A_785 : i32 to index
        %get3A_787 = arith.index_cast %mul3A_232 : i32 to index
        %get3A_788 = tpu.vector_load %arg5[%get3A_786, %get3A_787] {strides = array<i32>} : memref<64x128xf32, #tpu.memory_space<vmem>>, vector<1x16xf32>,
        %get3A_789 = vector.shape_cast %get3A_788 : vector<1x16xf32> to vector<16xf32>
        %mul3A_790 = arith.mulf %gather3A_784, %get3A_789 : vector<16xf32>
        %add3A_791 = arith.addf %add3A_782, %mul3A_790 : vector<16xf32>
        %gather3A_792 = vector.shape_cast %broadcast_in_dim3A_102 : vector<16x1xi32> to vector<16xi32>
        %gather3A_793 = tpu.dynamic_gather %get3A_674[%gather3A_792] in [0] : vector<16xf32>, vector<16xi32> -> vector<16xf32>
        %get3A_794 = arith.constant 61 : i32
        %get3A_795 = arith.index_cast %get3A_794 : i32 to index
        %get3A_796 = arith.index_cast %mul3A_232 : i32 to index
        %get3A_797 = tpu.vector_load %arg5[%get3A_795, %get3A_796] {strides = array<i32>} : memref<64x128xf32, #tpu.memory_space<vmem>>, vector<1x16xf32>,
        %get3A_798 = vector.shape_cast %get3A_797 : vector<1x16xf32> to vector<16xf32>
        %mul3A_799 = arith.mulf %gather3A_793, %get3A_798 : vector<16xf32>
        %add3A_800 = arith.addf %add3A_791, %mul3A_799 : vector<16xf32>
        %gather3A_801 = vector.shape_cast %broadcast_in_dim3A_104 : vector<16x1xi32> to vector<16xi32>
        %gather3A_802 = tpu.dynamic_gather %get3A_674[%gather3A_801] in [0] : vector<16xf32>, vector<16xi32> -> vector<16xf32>
        %get3A_803 = arith.constant 62 : i32
        %get3A_804 = arith.index_cast %get3A_803 : i32 to index
        %get3A_805 = arith.index_cast %mul3A_232 : i32 to index
        %get3A_806 = tpu.vector_load %arg5[%get3A_804, %get3A_805] {strides = array<i32>} : memref<64x128xf32, #tpu.memory_space<vmem>>, vector<1x16xf32>,
        %get3A_807 = vector.shape_cast %get3A_806 : vector<1x16xf32> to vector<16xf32>
        %mul3A_808 = arith.mulf %gather3A_802, %get3A_807 : vector<16xf32>
        %add3A_809 = arith.addf %add3A_800, %mul3A_808 : vector<16xf32>
        %gather3A_810 = vector.shape_cast %broadcast_in_dim3A_106 : vector<16x1xi32> to vector<16xi32>
        %gather3A_811 = tpu.dynamic_gather %get3A_674[%gather3A_810] in [0] : vector<16xf32>, vector<16xi32> -> vector<16xf32>
        %get3A_812 = arith.constant 63 : i32
        %get3A_813 = arith.index_cast %get3A_812 : i32 to index
        %get3A_814 = arith.index_cast %mul3A_232 : i32 to index
        %get3A_815 = tpu.vector_load %arg5[%get3A_813, %get3A_814] {strides = array<i32>} : memref<64x128xf32, #tpu.memory_space<vmem>>, vector<1x16xf32>,
        %get3A_816 = vector.shape_cast %get3A_815 : vector<1x16xf32> to vector<16xf32>
        %mul3A_817 = arith.mulf %gather3A_811, %get3A_816 : vector<16xf32>
        %add3A_818 = arith.addf %add3A_809, %mul3A_817 : vector<16xf32>
        %swap3A = arith.index_cast %mul3A_232 : i32 to index
        %swap3A_819 = tpu.vector_load %arg9[%swap3A] {strides = array<i32>} : memref<128xf32, #tpu.memory_space<vmem>>, vector<16xf32>,
        %swap3A_820 = vector.shape_cast %swap3A_819 : vector<16xf32> to vector<16xf32>
        %swap3A_821 = vector.shape_cast %add3A_818 : vector<16xf32> to vector<16xf32>
        tpu.vector_store %arg9[%swap3A], %swap3A_821 {strides = array<i32>} : memref<128xf32, #tpu.memory_space<vmem>>, vector<16xf32>,
        %scan3A_822 = arith.constant 0 : i32
        scf.yield %scan3A_822 : i32
      }
      %scan3A_113 = arith.constant 8 : i32
      %add3A_114 = arith.constant 2 : i32
      %add3A_115 = arith.addi %mul3A_58, %add3A_114 : i32
      %rem3A = arith.constant 32 : i32
      %rem3A_116 = arith.remsi %add3A_115, %rem3A : i32
      %add3A_117 = arith.addi %mul3A_2, %rem3A_116 : i32
      %dma_start3A_118 = arith.constant 0 : i32
      %dma_start3A_119 = arith.constant 896 : i32
      %dma_start3A_120 = tpu.memref_slice %arg2[%add3A_117, %dma_start3A_118, %dma_start3A_119] : memref<1024x64x1024xf32, #tpu.memory_space<hbm>> -> memref<1x64x128xf32, #tpu.memory_space<hbm>>
      %dma_start3A_121 = tpu.memref_squeeze %dma_start3A_120 : memref<1x64x128xf32, #tpu.memory_space<hbm>> -> memref<64x128xf32, #tpu.memory_space<hbm>>
      %dma_start3A_122 = arith.constant 0 : i32
      %dma_start3A_123 = arith.constant 896 : i32
      %dma_start3A_124 = tpu.memref_slice %arg2[%add3A_117, %dma_start3A_122, %dma_start3A_123] : memref<1024x64x1024xf32, #tpu.memory_space<hbm>> -> memref<1x64x128xf32, #tpu.memory_space<hbm>>
      %dma_start3A_125 = tpu.memref_squeeze %dma_start3A_124 : memref<1x64x128xf32, #tpu.memory_space<hbm>> -> memref<64x128xf32, #tpu.memory_space<hbm>>
      tpu.enqueue_dma source(%dma_start3A_125 : memref<64x128xf32, #tpu.memory_space<hbm>>) target(%arg5 : memref<64x128xf32, #tpu.memory_space<vmem>>) target_semaphore(%arg11 : memref<!tpu.dma_semaphore, #tpu.memory_space<semaphore_mem>>)
      %dma_start3A_126 = arith.constant 0 : i32
      %dma_start3A_127 = tpu.memref_slice %arg3[%add3A_117, %dma_start3A_126] : memref<1024x64xf32, #tpu.memory_space<hbm>> -> memref<1x64xf32, #tpu.memory_space<hbm>>
      %dma_start3A_128 = tpu.memref_squeeze %dma_start3A_127 : memref<1x64xf32, #tpu.memory_space<hbm>> -> memref<64xf32, #tpu.memory_space<hbm>>
      %dma_start3A_129 = arith.constant 0 : i32
      %dma_start3A_130 = tpu.memref_slice %arg3[%add3A_117, %dma_start3A_129] : memref<1024x64xf32, #tpu.memory_space<hbm>> -> memref<1x64xf32, #tpu.memory_space<hbm>>
      %dma_start3A_131 = tpu.memref_squeeze %dma_start3A_130 : memref<1x64xf32, #tpu.memory_space<hbm>> -> memref<64xf32, #tpu.memory_space<hbm>>
      tpu.enqueue_dma source(%dma_start3A_131 : memref<64xf32, #tpu.memory_space<hbm>>) target(%arg7 : memref<64xf32, #tpu.memory_space<vmem>>) target_semaphore(%arg13 : memref<!tpu.dma_semaphore, #tpu.memory_space<semaphore_mem>>)
      %dma_start3A_132 = arith.constant 0 : i32
      %dma_start3A_133 = tpu.memref_slice %arg4[%add3A_59, %dma_start3A_132] : memref<1024x128xf32, #tpu.memory_space<hbm>> -> memref<1x128xf32, #tpu.memory_space<hbm>>
      %dma_start3A_134 = tpu.memref_squeeze %dma_start3A_133 : memref<1x128xf32, #tpu.memory_space<hbm>> -> memref<128xf32, #tpu.memory_space<hbm>>
      %dma_start3A_135 = arith.constant 0 : i32
      %dma_start3A_136 = tpu.memref_slice %arg4[%add3A_59, %dma_start3A_135] : memref<1024x128xf32, #tpu.memory_space<hbm>> -> memref<1x128xf32, #tpu.memory_space<hbm>>
      %dma_start3A_137 = tpu.memref_squeeze %dma_start3A_136 : memref<1x128xf32, #tpu.memory_space<hbm>> -> memref<128xf32, #tpu.memory_space<hbm>>
      tpu.enqueue_dma source(%arg9 : memref<128xf32, #tpu.memory_space<vmem>>) target(%dma_start3A_137 : memref<128xf32, #tpu.memory_space<hbm>>) target_semaphore(%arg15 : memref<!tpu.dma_semaphore, #tpu.memory_space<semaphore_mem>>)
      %mul3A_138 = arith.constant 2 : i32
      %mul3A_139 = arith.muli %scan3A_55, %mul3A_138 : i32
      %add3A_140 = arith.constant 1 : i32
      %add3A_141 = arith.addi %mul3A_139, %add3A_140 : i32
      %add3A_142 = arith.addi %mul3A_2, %add3A_141 : i32
      %ge3A_143 = arith.constant 2 : i32
      %ge3A_144 = arith.cmpi sge, %add3A_141, %ge3A_143 : i32
      %convert_element_type3A_145 = arith.extui %ge3A_144 : i1 to i32
      %cond3A_146 = arith.constant 0 : i32
      %cond3A_147 = arith.cmpi ne, %convert_element_type3A_145, %cond3A_146 : i32
      scf.if %cond3A_147 {
        %dma_wait3A_227 = arith.constant 0 : i32
        %dma_wait3A_228 = tpu.memref_slice %arg4[%add3A_142, %dma_wait3A_227] : memref<1024x128xf32, #tpu.memory_space<hbm>> -> memref<1x128xf32, #tpu.memory_space<hbm>>
        %dma_wait3A_229 = tpu.memref_squeeze %dma_wait3A_228 : memref<1x128xf32, #tpu.memory_space<hbm>> -> memref<128xf32, #tpu.memory_space<hbm>>
        %dma_wait3A_230 = arith.constant 0 : i32
        %dma_wait3A_231 = tpu.memref_slice %arg4[%add3A_142, %dma_wait3A_230] : memref<1024x128xf32, #tpu.memory_space<hbm>> -> memref<1x128xf32, #tpu.memory_space<hbm>>
        %dma_wait3A_232 = tpu.memref_squeeze %dma_wait3A_231 : memref<1x128xf32, #tpu.memory_space<hbm>> -> memref<128xf32, #tpu.memory_space<hbm>>
        tpu.wait_dma2 semaphore(%arg16 : memref<!tpu.dma_semaphore, #tpu.memory_space<semaphore_mem>>) src(%arg10 : memref<128xf32, #tpu.memory_space<vmem>>) dst(%dma_wait3A_232 : memref<128xf32, #tpu.memory_space<hbm>>)
      } else {
      }
      %dma_wait3A_148 = arith.constant 0 : i32
      %dma_wait3A_149 = arith.constant 896 : i32
      %dma_wait3A_150 = tpu.memref_slice %arg2[%add3A_142, %dma_wait3A_148, %dma_wait3A_149] : memref<1024x64x1024xf32, #tpu.memory_space<hbm>> -> memref<1x64x128xf32, #tpu.memory_space<hbm>>
      %dma_wait3A_151 = tpu.memref_squeeze %dma_wait3A_150 : memref<1x64x128xf32, #tpu.memory_space<hbm>> -> memref<64x128xf32, #tpu.memory_space<hbm>>
      %dma_wait3A_152 = arith.constant 0 : i32
      %dma_wait3A_153 = arith.constant 896 : i32
      %dma_wait3A_154 = tpu.memref_slice %arg2[%add3A_142, %dma_wait3A_152, %dma_wait3A_153] : memref<1024x64x1024xf32, #tpu.memory_space<hbm>> -> memref<1x64x128xf32, #tpu.memory_space<hbm>>
      %dma_wait3A_155 = tpu.memref_squeeze %dma_wait3A_154 : memref<1x64x128xf32, #tpu.memory_space<hbm>> -> memref<64x128xf32, #tpu.memory_space<hbm>>
      tpu.wait_dma2 semaphore(%arg12 : memref<!tpu.dma_semaphore, #tpu.memory_space<semaphore_mem>>) src(%dma_wait3A_155 : memref<64x128xf32, #tpu.memory_space<hbm>>) dst(%arg6 : memref<64x128xf32, #tpu.memory_space<vmem>>)
      %dma_wait3A_156 = arith.constant 0 : i32
      %dma_wait3A_157 = tpu.memref_slice %arg3[%add3A_142, %dma_wait3A_156] : memref<1024x64xf32, #tpu.memory_space<hbm>> -> memref<1x64xf32, #tpu.memory_space<hbm>>
      %dma_wait3A_158 = tpu.memref_squeeze %dma_wait3A_157 : memref<1x64xf32, #tpu.memory_space<hbm>> -> memref<64xf32, #tpu.memory_space<hbm>>
      %dma_wait3A_159 = arith.constant 0 : i32
      %dma_wait3A_160 = tpu.memref_slice %arg3[%add3A_142, %dma_wait3A_159] : memref<1024x64xf32, #tpu.memory_space<hbm>> -> memref<1x64xf32, #tpu.memory_space<hbm>>
      %dma_wait3A_161 = tpu.memref_squeeze %dma_wait3A_160 : memref<1x64xf32, #tpu.memory_space<hbm>> -> memref<64xf32, #tpu.memory_space<hbm>>
      tpu.wait_dma2 semaphore(%arg14 : memref<!tpu.dma_semaphore, #tpu.memory_space<semaphore_mem>>) src(%dma_wait3A_161 : memref<64xf32, #tpu.memory_space<hbm>>) dst(%arg8 : memref<64xf32, #tpu.memory_space<vmem>>)
      %broadcast_in_dim3A_162 = arith.constant 0 : i32
      %broadcast_in_dim3A_163 = vector.broadcast %broadcast_in_dim3A_162 : i32 to vector<16x1xi32>
      %broadcast_in_dim3A_164 = arith.constant 1 : i32
      %broadcast_in_dim3A_165 = vector.broadcast %broadcast_in_dim3A_164 : i32 to vector<16x1xi32>
      %broadcast_in_dim3A_166 = arith.constant 2 : i32
      %broadcast_in_dim3A_167 = vector.broadcast %broadcast_in_dim3A_166 : i32 to vector<16x1xi32>
      %broadcast_in_dim3A_168 = arith.constant 3 : i32
      %broadcast_in_dim3A_169 = vector.broadcast %broadcast_in_dim3A_168 : i32 to vector<16x1xi32>
      %broadcast_in_dim3A_170 = arith.constant 4 : i32
      %broadcast_in_dim3A_171 = vector.broadcast %broadcast_in_dim3A_170 : i32 to vector<16x1xi32>
      %broadcast_in_dim3A_172 = arith.constant 5 : i32
      %broadcast_in_dim3A_173 = vector.broadcast %broadcast_in_dim3A_172 : i32 to vector<16x1xi32>
      %broadcast_in_dim3A_174 = arith.constant 6 : i32
      %broadcast_in_dim3A_175 = vector.broadcast %broadcast_in_dim3A_174 : i32 to vector<16x1xi32>
      %broadcast_in_dim3A_176 = arith.constant 7 : i32
      %broadcast_in_dim3A_177 = vector.broadcast %broadcast_in_dim3A_176 : i32 to vector<16x1xi32>
      %broadcast_in_dim3A_178 = arith.constant 8 : i32
      %broadcast_in_dim3A_179 = vector.broadcast %broadcast_in_dim3A_178 : i32 to vector<16x1xi32>
      %broadcast_in_dim3A_180 = arith.constant 9 : i32
      %broadcast_in_dim3A_181 = vector.broadcast %broadcast_in_dim3A_180 : i32 to vector<16x1xi32>
      %broadcast_in_dim3A_182 = arith.constant 10 : i32
      %broadcast_in_dim3A_183 = vector.broadcast %broadcast_in_dim3A_182 : i32 to vector<16x1xi32>
      %broadcast_in_dim3A_184 = arith.constant 11 : i32
      %broadcast_in_dim3A_185 = vector.broadcast %broadcast_in_dim3A_184 : i32 to vector<16x1xi32>
      %broadcast_in_dim3A_186 = arith.constant 12 : i32
      %broadcast_in_dim3A_187 = vector.broadcast %broadcast_in_dim3A_186 : i32 to vector<16x1xi32>
      %broadcast_in_dim3A_188 = arith.constant 13 : i32
      %broadcast_in_dim3A_189 = vector.broadcast %broadcast_in_dim3A_188 : i32 to vector<16x1xi32>
      %broadcast_in_dim3A_190 = arith.constant 14 : i32
      %broadcast_in_dim3A_191 = vector.broadcast %broadcast_in_dim3A_190 : i32 to vector<16x1xi32>
      %broadcast_in_dim3A_192 = arith.constant 15 : i32
      %broadcast_in_dim3A_193 = vector.broadcast %broadcast_in_dim3A_192 : i32 to vector<16x1xi32>
      %scan3A_194 = arith.constant 0 : i32
      %scan3A_195 = arith.constant 0 : i32
      %scan3A_196 = arith.constant 8 : i32
      %scan3A_197 = arith.addi %scan3A_195, %scan3A_196 : i32
      %scan3A_198 = arith.constant 1 : i32
      %scan3A_199 = scf.for %scan3A_227 = %scan3A_195 to %scan3A_197 step %scan3A_198 iter_args(%scan3A_228 = %scan3A_194) -> (i32)  : i32 {
        %broadcast_in_dim3A_229 = arith.constant 0.000000e+00 : f32
        %broadcast_in_dim3A_230 = vector.broadcast %broadcast_in_dim3A_229 : f32 to vector<16xf32>
        %mul3A_231 = arith.constant 16 : i32
        %mul3A_232 = arith.muli %scan3A_227, %mul3A_231 : i32
        %get3A = arith.constant 0 : index
        %get3A_233 = tpu.vector_load %arg8[%get3A] {strides = array<i32>} : memref<64xf32, #tpu.memory_space<vmem>>, vector<16xf32>,
        %get3A_234 = vector.shape_cast %get3A_233 : vector<16xf32> to vector<16xf32>
        %gather3A = vector.shape_cast %broadcast_in_dim3A_163 : vector<16x1xi32> to vector<16xi32>
        %gather3A_235 = tpu.dynamic_gather %get3A_234[%gather3A] in [0] : vector<16xf32>, vector<16xi32> -> vector<16xf32>
        %get3A_236 = arith.constant 0 : i32
        %get3A_237 = arith.index_cast %get3A_236 : i32 to index
        %get3A_238 = arith.index_cast %mul3A_232 : i32 to index
        %get3A_239 = tpu.vector_load %arg6[%get3A_237, %get3A_238] {strides = array<i32>} : memref<64x128xf32, #tpu.memory_space<vmem>>, vector<1x16xf32>,
        %get3A_240 = vector.shape_cast %get3A_239 : vector<1x16xf32> to vector<16xf32>
        %mul3A_241 = arith.mulf %gather3A_235, %get3A_240 : vector<16xf32>
        %add3A_242 = arith.addf %broadcast_in_dim3A_230, %mul3A_241 : vector<16xf32>
        %gather3A_243 = vector.shape_cast %broadcast_in_dim3A_165 : vector<16x1xi32> to vector<16xi32>
        %gather3A_244 = tpu.dynamic_gather %get3A_234[%gather3A_243] in [0] : vector<16xf32>, vector<16xi32> -> vector<16xf32>
        %get3A_245 = arith.constant 1 : i32
        %get3A_246 = arith.index_cast %get3A_245 : i32 to index
        %get3A_247 = arith.index_cast %mul3A_232 : i32 to index
        %get3A_248 = tpu.vector_load %arg6[%get3A_246, %get3A_247] {strides = array<i32>} : memref<64x128xf32, #tpu.memory_space<vmem>>, vector<1x16xf32>,
        %get3A_249 = vector.shape_cast %get3A_248 : vector<1x16xf32> to vector<16xf32>
        %mul3A_250 = arith.mulf %gather3A_244, %get3A_249 : vector<16xf32>
        %add3A_251 = arith.addf %add3A_242, %mul3A_250 : vector<16xf32>
        %gather3A_252 = vector.shape_cast %broadcast_in_dim3A_167 : vector<16x1xi32> to vector<16xi32>
        %gather3A_253 = tpu.dynamic_gather %get3A_234[%gather3A_252] in [0] : vector<16xf32>, vector<16xi32> -> vector<16xf32>
        %get3A_254 = arith.constant 2 : i32
        %get3A_255 = arith.index_cast %get3A_254 : i32 to index
        %get3A_256 = arith.index_cast %mul3A_232 : i32 to index
        %get3A_257 = tpu.vector_load %arg6[%get3A_255, %get3A_256] {strides = array<i32>} : memref<64x128xf32, #tpu.memory_space<vmem>>, vector<1x16xf32>,
        %get3A_258 = vector.shape_cast %get3A_257 : vector<1x16xf32> to vector<16xf32>
        %mul3A_259 = arith.mulf %gather3A_253, %get3A_258 : vector<16xf32>
        %add3A_260 = arith.addf %add3A_251, %mul3A_259 : vector<16xf32>
        %gather3A_261 = vector.shape_cast %broadcast_in_dim3A_169 : vector<16x1xi32> to vector<16xi32>
        %gather3A_262 = tpu.dynamic_gather %get3A_234[%gather3A_261] in [0] : vector<16xf32>, vector<16xi32> -> vector<16xf32>
        %get3A_263 = arith.constant 3 : i32
        %get3A_264 = arith.index_cast %get3A_263 : i32 to index
        %get3A_265 = arith.index_cast %mul3A_232 : i32 to index
        %get3A_266 = tpu.vector_load %arg6[%get3A_264, %get3A_265] {strides = array<i32>} : memref<64x128xf32, #tpu.memory_space<vmem>>, vector<1x16xf32>,
        %get3A_267 = vector.shape_cast %get3A_266 : vector<1x16xf32> to vector<16xf32>
        %mul3A_268 = arith.mulf %gather3A_262, %get3A_267 : vector<16xf32>
        %add3A_269 = arith.addf %add3A_260, %mul3A_268 : vector<16xf32>
        %gather3A_270 = vector.shape_cast %broadcast_in_dim3A_171 : vector<16x1xi32> to vector<16xi32>
        %gather3A_271 = tpu.dynamic_gather %get3A_234[%gather3A_270] in [0] : vector<16xf32>, vector<16xi32> -> vector<16xf32>
        %get3A_272 = arith.constant 4 : i32
        %get3A_273 = arith.index_cast %get3A_272 : i32 to index
        %get3A_274 = arith.index_cast %mul3A_232 : i32 to index
        %get3A_275 = tpu.vector_load %arg6[%get3A_273, %get3A_274] {strides = array<i32>} : memref<64x128xf32, #tpu.memory_space<vmem>>, vector<1x16xf32>,
        %get3A_276 = vector.shape_cast %get3A_275 : vector<1x16xf32> to vector<16xf32>
        %mul3A_277 = arith.mulf %gather3A_271, %get3A_276 : vector<16xf32>
        %add3A_278 = arith.addf %add3A_269, %mul3A_277 : vector<16xf32>
        %gather3A_279 = vector.shape_cast %broadcast_in_dim3A_173 : vector<16x1xi32> to vector<16xi32>
        %gather3A_280 = tpu.dynamic_gather %get3A_234[%gather3A_279] in [0] : vector<16xf32>, vector<16xi32> -> vector<16xf32>
        %get3A_281 = arith.constant 5 : i32
        %get3A_282 = arith.index_cast %get3A_281 : i32 to index
        %get3A_283 = arith.index_cast %mul3A_232 : i32 to index
        %get3A_284 = tpu.vector_load %arg6[%get3A_282, %get3A_283] {strides = array<i32>} : memref<64x128xf32, #tpu.memory_space<vmem>>, vector<1x16xf32>,
        %get3A_285 = vector.shape_cast %get3A_284 : vector<1x16xf32> to vector<16xf32>
        %mul3A_286 = arith.mulf %gather3A_280, %get3A_285 : vector<16xf32>
        %add3A_287 = arith.addf %add3A_278, %mul3A_286 : vector<16xf32>
        %gather3A_288 = vector.shape_cast %broadcast_in_dim3A_175 : vector<16x1xi32> to vector<16xi32>
        %gather3A_289 = tpu.dynamic_gather %get3A_234[%gather3A_288] in [0] : vector<16xf32>, vector<16xi32> -> vector<16xf32>
        %get3A_290 = arith.constant 6 : i32
        %get3A_291 = arith.index_cast %get3A_290 : i32 to index
        %get3A_292 = arith.index_cast %mul3A_232 : i32 to index
        %get3A_293 = tpu.vector_load %arg6[%get3A_291, %get3A_292] {strides = array<i32>} : memref<64x128xf32, #tpu.memory_space<vmem>>, vector<1x16xf32>,
        %get3A_294 = vector.shape_cast %get3A_293 : vector<1x16xf32> to vector<16xf32>
        %mul3A_295 = arith.mulf %gather3A_289, %get3A_294 : vector<16xf32>
        %add3A_296 = arith.addf %add3A_287, %mul3A_295 : vector<16xf32>
        %gather3A_297 = vector.shape_cast %broadcast_in_dim3A_177 : vector<16x1xi32> to vector<16xi32>
        %gather3A_298 = tpu.dynamic_gather %get3A_234[%gather3A_297] in [0] : vector<16xf32>, vector<16xi32> -> vector<16xf32>
        %get3A_299 = arith.constant 7 : i32
        %get3A_300 = arith.index_cast %get3A_299 : i32 to index
        %get3A_301 = arith.index_cast %mul3A_232 : i32 to index
        %get3A_302 = tpu.vector_load %arg6[%get3A_300, %get3A_301] {strides = array<i32>} : memref<64x128xf32, #tpu.memory_space<vmem>>, vector<1x16xf32>,
        %get3A_303 = vector.shape_cast %get3A_302 : vector<1x16xf32> to vector<16xf32>
        %mul3A_304 = arith.mulf %gather3A_298, %get3A_303 : vector<16xf32>
        %add3A_305 = arith.addf %add3A_296, %mul3A_304 : vector<16xf32>
        %gather3A_306 = vector.shape_cast %broadcast_in_dim3A_179 : vector<16x1xi32> to vector<16xi32>
        %gather3A_307 = tpu.dynamic_gather %get3A_234[%gather3A_306] in [0] : vector<16xf32>, vector<16xi32> -> vector<16xf32>
        %get3A_308 = arith.constant 8 : i32
        %get3A_309 = arith.index_cast %get3A_308 : i32 to index
        %get3A_310 = arith.index_cast %mul3A_232 : i32 to index
        %get3A_311 = tpu.vector_load %arg6[%get3A_309, %get3A_310] {strides = array<i32>} : memref<64x128xf32, #tpu.memory_space<vmem>>, vector<1x16xf32>,
        %get3A_312 = vector.shape_cast %get3A_311 : vector<1x16xf32> to vector<16xf32>
        %mul3A_313 = arith.mulf %gather3A_307, %get3A_312 : vector<16xf32>
        %add3A_314 = arith.addf %add3A_305, %mul3A_313 : vector<16xf32>
        %gather3A_315 = vector.shape_cast %broadcast_in_dim3A_181 : vector<16x1xi32> to vector<16xi32>
        %gather3A_316 = tpu.dynamic_gather %get3A_234[%gather3A_315] in [0] : vector<16xf32>, vector<16xi32> -> vector<16xf32>
        %get3A_317 = arith.constant 9 : i32
        %get3A_318 = arith.index_cast %get3A_317 : i32 to index
        %get3A_319 = arith.index_cast %mul3A_232 : i32 to index
        %get3A_320 = tpu.vector_load %arg6[%get3A_318, %get3A_319] {strides = array<i32>} : memref<64x128xf32, #tpu.memory_space<vmem>>, vector<1x16xf32>,
        %get3A_321 = vector.shape_cast %get3A_320 : vector<1x16xf32> to vector<16xf32>
        %mul3A_322 = arith.mulf %gather3A_316, %get3A_321 : vector<16xf32>
        %add3A_323 = arith.addf %add3A_314, %mul3A_322 : vector<16xf32>
        %gather3A_324 = vector.shape_cast %broadcast_in_dim3A_183 : vector<16x1xi32> to vector<16xi32>
        %gather3A_325 = tpu.dynamic_gather %get3A_234[%gather3A_324] in [0] : vector<16xf32>, vector<16xi32> -> vector<16xf32>
        %get3A_326 = arith.constant 10 : i32
        %get3A_327 = arith.index_cast %get3A_326 : i32 to index
        %get3A_328 = arith.index_cast %mul3A_232 : i32 to index
        %get3A_329 = tpu.vector_load %arg6[%get3A_327, %get3A_328] {strides = array<i32>} : memref<64x128xf32, #tpu.memory_space<vmem>>, vector<1x16xf32>,
        %get3A_330 = vector.shape_cast %get3A_329 : vector<1x16xf32> to vector<16xf32>
        %mul3A_331 = arith.mulf %gather3A_325, %get3A_330 : vector<16xf32>
        %add3A_332 = arith.addf %add3A_323, %mul3A_331 : vector<16xf32>
        %gather3A_333 = vector.shape_cast %broadcast_in_dim3A_185 : vector<16x1xi32> to vector<16xi32>
        %gather3A_334 = tpu.dynamic_gather %get3A_234[%gather3A_333] in [0] : vector<16xf32>, vector<16xi32> -> vector<16xf32>
        %get3A_335 = arith.constant 11 : i32
        %get3A_336 = arith.index_cast %get3A_335 : i32 to index
        %get3A_337 = arith.index_cast %mul3A_232 : i32 to index
        %get3A_338 = tpu.vector_load %arg6[%get3A_336, %get3A_337] {strides = array<i32>} : memref<64x128xf32, #tpu.memory_space<vmem>>, vector<1x16xf32>,
        %get3A_339 = vector.shape_cast %get3A_338 : vector<1x16xf32> to vector<16xf32>
        %mul3A_340 = arith.mulf %gather3A_334, %get3A_339 : vector<16xf32>
        %add3A_341 = arith.addf %add3A_332, %mul3A_340 : vector<16xf32>
        %gather3A_342 = vector.shape_cast %broadcast_in_dim3A_187 : vector<16x1xi32> to vector<16xi32>
        %gather3A_343 = tpu.dynamic_gather %get3A_234[%gather3A_342] in [0] : vector<16xf32>, vector<16xi32> -> vector<16xf32>
        %get3A_344 = arith.constant 12 : i32
        %get3A_345 = arith.index_cast %get3A_344 : i32 to index
        %get3A_346 = arith.index_cast %mul3A_232 : i32 to index
        %get3A_347 = tpu.vector_load %arg6[%get3A_345, %get3A_346] {strides = array<i32>} : memref<64x128xf32, #tpu.memory_space<vmem>>, vector<1x16xf32>,
        %get3A_348 = vector.shape_cast %get3A_347 : vector<1x16xf32> to vector<16xf32>
        %mul3A_349 = arith.mulf %gather3A_343, %get3A_348 : vector<16xf32>
        %add3A_350 = arith.addf %add3A_341, %mul3A_349 : vector<16xf32>
        %gather3A_351 = vector.shape_cast %broadcast_in_dim3A_189 : vector<16x1xi32> to vector<16xi32>
        %gather3A_352 = tpu.dynamic_gather %get3A_234[%gather3A_351] in [0] : vector<16xf32>, vector<16xi32> -> vector<16xf32>
        %get3A_353 = arith.constant 13 : i32
        %get3A_354 = arith.index_cast %get3A_353 : i32 to index
        %get3A_355 = arith.index_cast %mul3A_232 : i32 to index
        %get3A_356 = tpu.vector_load %arg6[%get3A_354, %get3A_355] {strides = array<i32>} : memref<64x128xf32, #tpu.memory_space<vmem>>, vector<1x16xf32>,
        %get3A_357 = vector.shape_cast %get3A_356 : vector<1x16xf32> to vector<16xf32>
        %mul3A_358 = arith.mulf %gather3A_352, %get3A_357 : vector<16xf32>
        %add3A_359 = arith.addf %add3A_350, %mul3A_358 : vector<16xf32>
        %gather3A_360 = vector.shape_cast %broadcast_in_dim3A_191 : vector<16x1xi32> to vector<16xi32>
        %gather3A_361 = tpu.dynamic_gather %get3A_234[%gather3A_360] in [0] : vector<16xf32>, vector<16xi32> -> vector<16xf32>
        %get3A_362 = arith.constant 14 : i32
        %get3A_363 = arith.index_cast %get3A_362 : i32 to index
        %get3A_364 = arith.index_cast %mul3A_232 : i32 to index
        %get3A_365 = tpu.vector_load %arg6[%get3A_363, %get3A_364] {strides = array<i32>} : memref<64x128xf32, #tpu.memory_space<vmem>>, vector<1x16xf32>,
        %get3A_366 = vector.shape_cast %get3A_365 : vector<1x16xf32> to vector<16xf32>
        %mul3A_367 = arith.mulf %gather3A_361, %get3A_366 : vector<16xf32>
        %add3A_368 = arith.addf %add3A_359, %mul3A_367 : vector<16xf32>
        %gather3A_369 = vector.shape_cast %broadcast_in_dim3A_193 : vector<16x1xi32> to vector<16xi32>
        %gather3A_370 = tpu.dynamic_gather %get3A_234[%gather3A_369] in [0] : vector<16xf32>, vector<16xi32> -> vector<16xf32>
        %get3A_371 = arith.constant 15 : i32
        %get3A_372 = arith.index_cast %get3A_371 : i32 to index
        %get3A_373 = arith.index_cast %mul3A_232 : i32 to index
        %get3A_374 = tpu.vector_load %arg6[%get3A_372, %get3A_373] {strides = array<i32>} : memref<64x128xf32, #tpu.memory_space<vmem>>, vector<1x16xf32>,
        %get3A_375 = vector.shape_cast %get3A_374 : vector<1x16xf32> to vector<16xf32>
        %mul3A_376 = arith.mulf %gather3A_370, %get3A_375 : vector<16xf32>
        %add3A_377 = arith.addf %add3A_368, %mul3A_376 : vector<16xf32>
        %get3A_378 = arith.constant 16 : index
        %get3A_379 = tpu.vector_load %arg8[%get3A_378] {strides = array<i32>} : memref<64xf32, #tpu.memory_space<vmem>>, vector<16xf32>,
        %get3A_380 = vector.shape_cast %get3A_379 : vector<16xf32> to vector<16xf32>
        %gather3A_381 = vector.shape_cast %broadcast_in_dim3A_163 : vector<16x1xi32> to vector<16xi32>
        %gather3A_382 = tpu.dynamic_gather %get3A_380[%gather3A_381] in [0] : vector<16xf32>, vector<16xi32> -> vector<16xf32>
        %get3A_383 = arith.constant 16 : i32
        %get3A_384 = arith.index_cast %get3A_383 : i32 to index
        %get3A_385 = arith.index_cast %mul3A_232 : i32 to index
        %get3A_386 = tpu.vector_load %arg6[%get3A_384, %get3A_385] {strides = array<i32>} : memref<64x128xf32, #tpu.memory_space<vmem>>, vector<1x16xf32>,
        %get3A_387 = vector.shape_cast %get3A_386 : vector<1x16xf32> to vector<16xf32>
        %mul3A_388 = arith.mulf %gather3A_382, %get3A_387 : vector<16xf32>
        %add3A_389 = arith.addf %add3A_377, %mul3A_388 : vector<16xf32>
        %gather3A_390 = vector.shape_cast %broadcast_in_dim3A_165 : vector<16x1xi32> to vector<16xi32>
        %gather3A_391 = tpu.dynamic_gather %get3A_380[%gather3A_390] in [0] : vector<16xf32>, vector<16xi32> -> vector<16xf32>
        %get3A_392 = arith.constant 17 : i32
        %get3A_393 = arith.index_cast %get3A_392 : i32 to index
        %get3A_394 = arith.index_cast %mul3A_232 : i32 to index
        %get3A_395 = tpu.vector_load %arg6[%get3A_393, %get3A_394] {strides = array<i32>} : memref<64x128xf32, #tpu.memory_space<vmem>>, vector<1x16xf32>,
        %get3A_396 = vector.shape_cast %get3A_395 : vector<1x16xf32> to vector<16xf32>
        %mul3A_397 = arith.mulf %gather3A_391, %get3A_396 : vector<16xf32>
        %add3A_398 = arith.addf %add3A_389, %mul3A_397 : vector<16xf32>
        %gather3A_399 = vector.shape_cast %broadcast_in_dim3A_167 : vector<16x1xi32> to vector<16xi32>
        %gather3A_400 = tpu.dynamic_gather %get3A_380[%gather3A_399] in [0] : vector<16xf32>, vector<16xi32> -> vector<16xf32>
        %get3A_401 = arith.constant 18 : i32
        %get3A_402 = arith.index_cast %get3A_401 : i32 to index
        %get3A_403 = arith.index_cast %mul3A_232 : i32 to index
        %get3A_404 = tpu.vector_load %arg6[%get3A_402, %get3A_403] {strides = array<i32>} : memref<64x128xf32, #tpu.memory_space<vmem>>, vector<1x16xf32>,
        %get3A_405 = vector.shape_cast %get3A_404 : vector<1x16xf32> to vector<16xf32>
        %mul3A_406 = arith.mulf %gather3A_400, %get3A_405 : vector<16xf32>
        %add3A_407 = arith.addf %add3A_398, %mul3A_406 : vector<16xf32>
        %gather3A_408 = vector.shape_cast %broadcast_in_dim3A_169 : vector<16x1xi32> to vector<16xi32>
        %gather3A_409 = tpu.dynamic_gather %get3A_380[%gather3A_408] in [0] : vector<16xf32>, vector<16xi32> -> vector<16xf32>
        %get3A_410 = arith.constant 19 : i32
        %get3A_411 = arith.index_cast %get3A_410 : i32 to index
        %get3A_412 = arith.index_cast %mul3A_232 : i32 to index
        %get3A_413 = tpu.vector_load %arg6[%get3A_411, %get3A_412] {strides = array<i32>} : memref<64x128xf32, #tpu.memory_space<vmem>>, vector<1x16xf32>,
        %get3A_414 = vector.shape_cast %get3A_413 : vector<1x16xf32> to vector<16xf32>
        %mul3A_415 = arith.mulf %gather3A_409, %get3A_414 : vector<16xf32>
        %add3A_416 = arith.addf %add3A_407, %mul3A_415 : vector<16xf32>
        %gather3A_417 = vector.shape_cast %broadcast_in_dim3A_171 : vector<16x1xi32> to vector<16xi32>
        %gather3A_418 = tpu.dynamic_gather %get3A_380[%gather3A_417] in [0] : vector<16xf32>, vector<16xi32> -> vector<16xf32>
        %get3A_419 = arith.constant 20 : i32
        %get3A_420 = arith.index_cast %get3A_419 : i32 to index
        %get3A_421 = arith.index_cast %mul3A_232 : i32 to index
        %get3A_422 = tpu.vector_load %arg6[%get3A_420, %get3A_421] {strides = array<i32>} : memref<64x128xf32, #tpu.memory_space<vmem>>, vector<1x16xf32>,
        %get3A_423 = vector.shape_cast %get3A_422 : vector<1x16xf32> to vector<16xf32>
        %mul3A_424 = arith.mulf %gather3A_418, %get3A_423 : vector<16xf32>
        %add3A_425 = arith.addf %add3A_416, %mul3A_424 : vector<16xf32>
        %gather3A_426 = vector.shape_cast %broadcast_in_dim3A_173 : vector<16x1xi32> to vector<16xi32>
        %gather3A_427 = tpu.dynamic_gather %get3A_380[%gather3A_426] in [0] : vector<16xf32>, vector<16xi32> -> vector<16xf32>
        %get3A_428 = arith.constant 21 : i32
        %get3A_429 = arith.index_cast %get3A_428 : i32 to index
        %get3A_430 = arith.index_cast %mul3A_232 : i32 to index
        %get3A_431 = tpu.vector_load %arg6[%get3A_429, %get3A_430] {strides = array<i32>} : memref<64x128xf32, #tpu.memory_space<vmem>>, vector<1x16xf32>,
        %get3A_432 = vector.shape_cast %get3A_431 : vector<1x16xf32> to vector<16xf32>
        %mul3A_433 = arith.mulf %gather3A_427, %get3A_432 : vector<16xf32>
        %add3A_434 = arith.addf %add3A_425, %mul3A_433 : vector<16xf32>
        %gather3A_435 = vector.shape_cast %broadcast_in_dim3A_175 : vector<16x1xi32> to vector<16xi32>
        %gather3A_436 = tpu.dynamic_gather %get3A_380[%gather3A_435] in [0] : vector<16xf32>, vector<16xi32> -> vector<16xf32>
        %get3A_437 = arith.constant 22 : i32
        %get3A_438 = arith.index_cast %get3A_437 : i32 to index
        %get3A_439 = arith.index_cast %mul3A_232 : i32 to index
        %get3A_440 = tpu.vector_load %arg6[%get3A_438, %get3A_439] {strides = array<i32>} : memref<64x128xf32, #tpu.memory_space<vmem>>, vector<1x16xf32>,
        %get3A_441 = vector.shape_cast %get3A_440 : vector<1x16xf32> to vector<16xf32>
        %mul3A_442 = arith.mulf %gather3A_436, %get3A_441 : vector<16xf32>
        %add3A_443 = arith.addf %add3A_434, %mul3A_442 : vector<16xf32>
        %gather3A_444 = vector.shape_cast %broadcast_in_dim3A_177 : vector<16x1xi32> to vector<16xi32>
        %gather3A_445 = tpu.dynamic_gather %get3A_380[%gather3A_444] in [0] : vector<16xf32>, vector<16xi32> -> vector<16xf32>
        %get3A_446 = arith.constant 23 : i32
        %get3A_447 = arith.index_cast %get3A_446 : i32 to index
        %get3A_448 = arith.index_cast %mul3A_232 : i32 to index
        %get3A_449 = tpu.vector_load %arg6[%get3A_447, %get3A_448] {strides = array<i32>} : memref<64x128xf32, #tpu.memory_space<vmem>>, vector<1x16xf32>,
        %get3A_450 = vector.shape_cast %get3A_449 : vector<1x16xf32> to vector<16xf32>
        %mul3A_451 = arith.mulf %gather3A_445, %get3A_450 : vector<16xf32>
        %add3A_452 = arith.addf %add3A_443, %mul3A_451 : vector<16xf32>
        %gather3A_453 = vector.shape_cast %broadcast_in_dim3A_179 : vector<16x1xi32> to vector<16xi32>
        %gather3A_454 = tpu.dynamic_gather %get3A_380[%gather3A_453] in [0] : vector<16xf32>, vector<16xi32> -> vector<16xf32>
        %get3A_455 = arith.constant 24 : i32
        %get3A_456 = arith.index_cast %get3A_455 : i32 to index
        %get3A_457 = arith.index_cast %mul3A_232 : i32 to index
        %get3A_458 = tpu.vector_load %arg6[%get3A_456, %get3A_457] {strides = array<i32>} : memref<64x128xf32, #tpu.memory_space<vmem>>, vector<1x16xf32>,
        %get3A_459 = vector.shape_cast %get3A_458 : vector<1x16xf32> to vector<16xf32>
        %mul3A_460 = arith.mulf %gather3A_454, %get3A_459 : vector<16xf32>
        %add3A_461 = arith.addf %add3A_452, %mul3A_460 : vector<16xf32>
        %gather3A_462 = vector.shape_cast %broadcast_in_dim3A_181 : vector<16x1xi32> to vector<16xi32>
        %gather3A_463 = tpu.dynamic_gather %get3A_380[%gather3A_462] in [0] : vector<16xf32>, vector<16xi32> -> vector<16xf32>
        %get3A_464 = arith.constant 25 : i32
        %get3A_465 = arith.index_cast %get3A_464 : i32 to index
        %get3A_466 = arith.index_cast %mul3A_232 : i32 to index
        %get3A_467 = tpu.vector_load %arg6[%get3A_465, %get3A_466] {strides = array<i32>} : memref<64x128xf32, #tpu.memory_space<vmem>>, vector<1x16xf32>,
        %get3A_468 = vector.shape_cast %get3A_467 : vector<1x16xf32> to vector<16xf32>
        %mul3A_469 = arith.mulf %gather3A_463, %get3A_468 : vector<16xf32>
        %add3A_470 = arith.addf %add3A_461, %mul3A_469 : vector<16xf32>
        %gather3A_471 = vector.shape_cast %broadcast_in_dim3A_183 : vector<16x1xi32> to vector<16xi32>
        %gather3A_472 = tpu.dynamic_gather %get3A_380[%gather3A_471] in [0] : vector<16xf32>, vector<16xi32> -> vector<16xf32>
        %get3A_473 = arith.constant 26 : i32
        %get3A_474 = arith.index_cast %get3A_473 : i32 to index
        %get3A_475 = arith.index_cast %mul3A_232 : i32 to index
        %get3A_476 = tpu.vector_load %arg6[%get3A_474, %get3A_475] {strides = array<i32>} : memref<64x128xf32, #tpu.memory_space<vmem>>, vector<1x16xf32>,
        %get3A_477 = vector.shape_cast %get3A_476 : vector<1x16xf32> to vector<16xf32>
        %mul3A_478 = arith.mulf %gather3A_472, %get3A_477 : vector<16xf32>
        %add3A_479 = arith.addf %add3A_470, %mul3A_478 : vector<16xf32>
        %gather3A_480 = vector.shape_cast %broadcast_in_dim3A_185 : vector<16x1xi32> to vector<16xi32>
        %gather3A_481 = tpu.dynamic_gather %get3A_380[%gather3A_480] in [0] : vector<16xf32>, vector<16xi32> -> vector<16xf32>
        %get3A_482 = arith.constant 27 : i32
        %get3A_483 = arith.index_cast %get3A_482 : i32 to index
        %get3A_484 = arith.index_cast %mul3A_232 : i32 to index
        %get3A_485 = tpu.vector_load %arg6[%get3A_483, %get3A_484] {strides = array<i32>} : memref<64x128xf32, #tpu.memory_space<vmem>>, vector<1x16xf32>,
        %get3A_486 = vector.shape_cast %get3A_485 : vector<1x16xf32> to vector<16xf32>
        %mul3A_487 = arith.mulf %gather3A_481, %get3A_486 : vector<16xf32>
        %add3A_488 = arith.addf %add3A_479, %mul3A_487 : vector<16xf32>
        %gather3A_489 = vector.shape_cast %broadcast_in_dim3A_187 : vector<16x1xi32> to vector<16xi32>
        %gather3A_490 = tpu.dynamic_gather %get3A_380[%gather3A_489] in [0] : vector<16xf32>, vector<16xi32> -> vector<16xf32>
        %get3A_491 = arith.constant 28 : i32
        %get3A_492 = arith.index_cast %get3A_491 : i32 to index
        %get3A_493 = arith.index_cast %mul3A_232 : i32 to index
        %get3A_494 = tpu.vector_load %arg6[%get3A_492, %get3A_493] {strides = array<i32>} : memref<64x128xf32, #tpu.memory_space<vmem>>, vector<1x16xf32>,
        %get3A_495 = vector.shape_cast %get3A_494 : vector<1x16xf32> to vector<16xf32>
        %mul3A_496 = arith.mulf %gather3A_490, %get3A_495 : vector<16xf32>
        %add3A_497 = arith.addf %add3A_488, %mul3A_496 : vector<16xf32>
        %gather3A_498 = vector.shape_cast %broadcast_in_dim3A_189 : vector<16x1xi32> to vector<16xi32>
        %gather3A_499 = tpu.dynamic_gather %get3A_380[%gather3A_498] in [0] : vector<16xf32>, vector<16xi32> -> vector<16xf32>
        %get3A_500 = arith.constant 29 : i32
        %get3A_501 = arith.index_cast %get3A_500 : i32 to index
        %get3A_502 = arith.index_cast %mul3A_232 : i32 to index
        %get3A_503 = tpu.vector_load %arg6[%get3A_501, %get3A_502] {strides = array<i32>} : memref<64x128xf32, #tpu.memory_space<vmem>>, vector<1x16xf32>,
        %get3A_504 = vector.shape_cast %get3A_503 : vector<1x16xf32> to vector<16xf32>
        %mul3A_505 = arith.mulf %gather3A_499, %get3A_504 : vector<16xf32>
        %add3A_506 = arith.addf %add3A_497, %mul3A_505 : vector<16xf32>
        %gather3A_507 = vector.shape_cast %broadcast_in_dim3A_191 : vector<16x1xi32> to vector<16xi32>
        %gather3A_508 = tpu.dynamic_gather %get3A_380[%gather3A_507] in [0] : vector<16xf32>, vector<16xi32> -> vector<16xf32>
        %get3A_509 = arith.constant 30 : i32
        %get3A_510 = arith.index_cast %get3A_509 : i32 to index
        %get3A_511 = arith.index_cast %mul3A_232 : i32 to index
        %get3A_512 = tpu.vector_load %arg6[%get3A_510, %get3A_511] {strides = array<i32>} : memref<64x128xf32, #tpu.memory_space<vmem>>, vector<1x16xf32>,
        %get3A_513 = vector.shape_cast %get3A_512 : vector<1x16xf32> to vector<16xf32>
        %mul3A_514 = arith.mulf %gather3A_508, %get3A_513 : vector<16xf32>
        %add3A_515 = arith.addf %add3A_506, %mul3A_514 : vector<16xf32>
        %gather3A_516 = vector.shape_cast %broadcast_in_dim3A_193 : vector<16x1xi32> to vector<16xi32>
        %gather3A_517 = tpu.dynamic_gather %get3A_380[%gather3A_516] in [0] : vector<16xf32>, vector<16xi32> -> vector<16xf32>
        %get3A_518 = arith.constant 31 : i32
        %get3A_519 = arith.index_cast %get3A_518 : i32 to index
        %get3A_520 = arith.index_cast %mul3A_232 : i32 to index
        %get3A_521 = tpu.vector_load %arg6[%get3A_519, %get3A_520] {strides = array<i32>} : memref<64x128xf32, #tpu.memory_space<vmem>>, vector<1x16xf32>,
        %get3A_522 = vector.shape_cast %get3A_521 : vector<1x16xf32> to vector<16xf32>
        %mul3A_523 = arith.mulf %gather3A_517, %get3A_522 : vector<16xf32>
        %add3A_524 = arith.addf %add3A_515, %mul3A_523 : vector<16xf32>
        %get3A_525 = arith.constant 32 : index
        %get3A_526 = tpu.vector_load %arg8[%get3A_525] {strides = array<i32>} : memref<64xf32, #tpu.memory_space<vmem>>, vector<16xf32>,
        %get3A_527 = vector.shape_cast %get3A_526 : vector<16xf32> to vector<16xf32>
        %gather3A_528 = vector.shape_cast %broadcast_in_dim3A_163 : vector<16x1xi32> to vector<16xi32>
        %gather3A_529 = tpu.dynamic_gather %get3A_527[%gather3A_528] in [0] : vector<16xf32>, vector<16xi32> -> vector<16xf32>
        %get3A_530 = arith.constant 32 : i32
        %get3A_531 = arith.index_cast %get3A_530 : i32 to index
        %get3A_532 = arith.index_cast %mul3A_232 : i32 to index
        %get3A_533 = tpu.vector_load %arg6[%get3A_531, %get3A_532] {strides = array<i32>} : memref<64x128xf32, #tpu.memory_space<vmem>>, vector<1x16xf32>,
        %get3A_534 = vector.shape_cast %get3A_533 : vector<1x16xf32> to vector<16xf32>
        %mul3A_535 = arith.mulf %gather3A_529, %get3A_534 : vector<16xf32>
        %add3A_536 = arith.addf %add3A_524, %mul3A_535 : vector<16xf32>
        %gather3A_537 = vector.shape_cast %broadcast_in_dim3A_165 : vector<16x1xi32> to vector<16xi32>
        %gather3A_538 = tpu.dynamic_gather %get3A_527[%gather3A_537] in [0] : vector<16xf32>, vector<16xi32> -> vector<16xf32>
        %get3A_539 = arith.constant 33 : i32
        %get3A_540 = arith.index_cast %get3A_539 : i32 to index
        %get3A_541 = arith.index_cast %mul3A_232 : i32 to index
        %get3A_542 = tpu.vector_load %arg6[%get3A_540, %get3A_541] {strides = array<i32>} : memref<64x128xf32, #tpu.memory_space<vmem>>, vector<1x16xf32>,
        %get3A_543 = vector.shape_cast %get3A_542 : vector<1x16xf32> to vector<16xf32>
        %mul3A_544 = arith.mulf %gather3A_538, %get3A_543 : vector<16xf32>
        %add3A_545 = arith.addf %add3A_536, %mul3A_544 : vector<16xf32>
        %gather3A_546 = vector.shape_cast %broadcast_in_dim3A_167 : vector<16x1xi32> to vector<16xi32>
        %gather3A_547 = tpu.dynamic_gather %get3A_527[%gather3A_546] in [0] : vector<16xf32>, vector<16xi32> -> vector<16xf32>
        %get3A_548 = arith.constant 34 : i32
        %get3A_549 = arith.index_cast %get3A_548 : i32 to index
        %get3A_550 = arith.index_cast %mul3A_232 : i32 to index
        %get3A_551 = tpu.vector_load %arg6[%get3A_549, %get3A_550] {strides = array<i32>} : memref<64x128xf32, #tpu.memory_space<vmem>>, vector<1x16xf32>,
        %get3A_552 = vector.shape_cast %get3A_551 : vector<1x16xf32> to vector<16xf32>
        %mul3A_553 = arith.mulf %gather3A_547, %get3A_552 : vector<16xf32>
        %add3A_554 = arith.addf %add3A_545, %mul3A_553 : vector<16xf32>
        %gather3A_555 = vector.shape_cast %broadcast_in_dim3A_169 : vector<16x1xi32> to vector<16xi32>
        %gather3A_556 = tpu.dynamic_gather %get3A_527[%gather3A_555] in [0] : vector<16xf32>, vector<16xi32> -> vector<16xf32>
        %get3A_557 = arith.constant 35 : i32
        %get3A_558 = arith.index_cast %get3A_557 : i32 to index
        %get3A_559 = arith.index_cast %mul3A_232 : i32 to index
        %get3A_560 = tpu.vector_load %arg6[%get3A_558, %get3A_559] {strides = array<i32>} : memref<64x128xf32, #tpu.memory_space<vmem>>, vector<1x16xf32>,
        %get3A_561 = vector.shape_cast %get3A_560 : vector<1x16xf32> to vector<16xf32>
        %mul3A_562 = arith.mulf %gather3A_556, %get3A_561 : vector<16xf32>
        %add3A_563 = arith.addf %add3A_554, %mul3A_562 : vector<16xf32>
        %gather3A_564 = vector.shape_cast %broadcast_in_dim3A_171 : vector<16x1xi32> to vector<16xi32>
        %gather3A_565 = tpu.dynamic_gather %get3A_527[%gather3A_564] in [0] : vector<16xf32>, vector<16xi32> -> vector<16xf32>
        %get3A_566 = arith.constant 36 : i32
        %get3A_567 = arith.index_cast %get3A_566 : i32 to index
        %get3A_568 = arith.index_cast %mul3A_232 : i32 to index
        %get3A_569 = tpu.vector_load %arg6[%get3A_567, %get3A_568] {strides = array<i32>} : memref<64x128xf32, #tpu.memory_space<vmem>>, vector<1x16xf32>,
        %get3A_570 = vector.shape_cast %get3A_569 : vector<1x16xf32> to vector<16xf32>
        %mul3A_571 = arith.mulf %gather3A_565, %get3A_570 : vector<16xf32>
        %add3A_572 = arith.addf %add3A_563, %mul3A_571 : vector<16xf32>
        %gather3A_573 = vector.shape_cast %broadcast_in_dim3A_173 : vector<16x1xi32> to vector<16xi32>
        %gather3A_574 = tpu.dynamic_gather %get3A_527[%gather3A_573] in [0] : vector<16xf32>, vector<16xi32> -> vector<16xf32>
        %get3A_575 = arith.constant 37 : i32
        %get3A_576 = arith.index_cast %get3A_575 : i32 to index
        %get3A_577 = arith.index_cast %mul3A_232 : i32 to index
        %get3A_578 = tpu.vector_load %arg6[%get3A_576, %get3A_577] {strides = array<i32>} : memref<64x128xf32, #tpu.memory_space<vmem>>, vector<1x16xf32>,
        %get3A_579 = vector.shape_cast %get3A_578 : vector<1x16xf32> to vector<16xf32>
        %mul3A_580 = arith.mulf %gather3A_574, %get3A_579 : vector<16xf32>
        %add3A_581 = arith.addf %add3A_572, %mul3A_580 : vector<16xf32>
        %gather3A_582 = vector.shape_cast %broadcast_in_dim3A_175 : vector<16x1xi32> to vector<16xi32>
        %gather3A_583 = tpu.dynamic_gather %get3A_527[%gather3A_582] in [0] : vector<16xf32>, vector<16xi32> -> vector<16xf32>
        %get3A_584 = arith.constant 38 : i32
        %get3A_585 = arith.index_cast %get3A_584 : i32 to index
        %get3A_586 = arith.index_cast %mul3A_232 : i32 to index
        %get3A_587 = tpu.vector_load %arg6[%get3A_585, %get3A_586] {strides = array<i32>} : memref<64x128xf32, #tpu.memory_space<vmem>>, vector<1x16xf32>,
        %get3A_588 = vector.shape_cast %get3A_587 : vector<1x16xf32> to vector<16xf32>
        %mul3A_589 = arith.mulf %gather3A_583, %get3A_588 : vector<16xf32>
        %add3A_590 = arith.addf %add3A_581, %mul3A_589 : vector<16xf32>
        %gather3A_591 = vector.shape_cast %broadcast_in_dim3A_177 : vector<16x1xi32> to vector<16xi32>
        %gather3A_592 = tpu.dynamic_gather %get3A_527[%gather3A_591] in [0] : vector<16xf32>, vector<16xi32> -> vector<16xf32>
        %get3A_593 = arith.constant 39 : i32
        %get3A_594 = arith.index_cast %get3A_593 : i32 to index
        %get3A_595 = arith.index_cast %mul3A_232 : i32 to index
        %get3A_596 = tpu.vector_load %arg6[%get3A_594, %get3A_595] {strides = array<i32>} : memref<64x128xf32, #tpu.memory_space<vmem>>, vector<1x16xf32>,
        %get3A_597 = vector.shape_cast %get3A_596 : vector<1x16xf32> to vector<16xf32>
        %mul3A_598 = arith.mulf %gather3A_592, %get3A_597 : vector<16xf32>
        %add3A_599 = arith.addf %add3A_590, %mul3A_598 : vector<16xf32>
        %gather3A_600 = vector.shape_cast %broadcast_in_dim3A_179 : vector<16x1xi32> to vector<16xi32>
        %gather3A_601 = tpu.dynamic_gather %get3A_527[%gather3A_600] in [0] : vector<16xf32>, vector<16xi32> -> vector<16xf32>
        %get3A_602 = arith.constant 40 : i32
        %get3A_603 = arith.index_cast %get3A_602 : i32 to index
        %get3A_604 = arith.index_cast %mul3A_232 : i32 to index
        %get3A_605 = tpu.vector_load %arg6[%get3A_603, %get3A_604] {strides = array<i32>} : memref<64x128xf32, #tpu.memory_space<vmem>>, vector<1x16xf32>,
        %get3A_606 = vector.shape_cast %get3A_605 : vector<1x16xf32> to vector<16xf32>
        %mul3A_607 = arith.mulf %gather3A_601, %get3A_606 : vector<16xf32>
        %add3A_608 = arith.addf %add3A_599, %mul3A_607 : vector<16xf32>
        %gather3A_609 = vector.shape_cast %broadcast_in_dim3A_181 : vector<16x1xi32> to vector<16xi32>
        %gather3A_610 = tpu.dynamic_gather %get3A_527[%gather3A_609] in [0] : vector<16xf32>, vector<16xi32> -> vector<16xf32>
        %get3A_611 = arith.constant 41 : i32
        %get3A_612 = arith.index_cast %get3A_611 : i32 to index
        %get3A_613 = arith.index_cast %mul3A_232 : i32 to index
        %get3A_614 = tpu.vector_load %arg6[%get3A_612, %get3A_613] {strides = array<i32>} : memref<64x128xf32, #tpu.memory_space<vmem>>, vector<1x16xf32>,
        %get3A_615 = vector.shape_cast %get3A_614 : vector<1x16xf32> to vector<16xf32>
        %mul3A_616 = arith.mulf %gather3A_610, %get3A_615 : vector<16xf32>
        %add3A_617 = arith.addf %add3A_608, %mul3A_616 : vector<16xf32>
        %gather3A_618 = vector.shape_cast %broadcast_in_dim3A_183 : vector<16x1xi32> to vector<16xi32>
        %gather3A_619 = tpu.dynamic_gather %get3A_527[%gather3A_618] in [0] : vector<16xf32>, vector<16xi32> -> vector<16xf32>
        %get3A_620 = arith.constant 42 : i32
        %get3A_621 = arith.index_cast %get3A_620 : i32 to index
        %get3A_622 = arith.index_cast %mul3A_232 : i32 to index
        %get3A_623 = tpu.vector_load %arg6[%get3A_621, %get3A_622] {strides = array<i32>} : memref<64x128xf32, #tpu.memory_space<vmem>>, vector<1x16xf32>,
        %get3A_624 = vector.shape_cast %get3A_623 : vector<1x16xf32> to vector<16xf32>
        %mul3A_625 = arith.mulf %gather3A_619, %get3A_624 : vector<16xf32>
        %add3A_626 = arith.addf %add3A_617, %mul3A_625 : vector<16xf32>
        %gather3A_627 = vector.shape_cast %broadcast_in_dim3A_185 : vector<16x1xi32> to vector<16xi32>
        %gather3A_628 = tpu.dynamic_gather %get3A_527[%gather3A_627] in [0] : vector<16xf32>, vector<16xi32> -> vector<16xf32>
        %get3A_629 = arith.constant 43 : i32
        %get3A_630 = arith.index_cast %get3A_629 : i32 to index
        %get3A_631 = arith.index_cast %mul3A_232 : i32 to index
        %get3A_632 = tpu.vector_load %arg6[%get3A_630, %get3A_631] {strides = array<i32>} : memref<64x128xf32, #tpu.memory_space<vmem>>, vector<1x16xf32>,
        %get3A_633 = vector.shape_cast %get3A_632 : vector<1x16xf32> to vector<16xf32>
        %mul3A_634 = arith.mulf %gather3A_628, %get3A_633 : vector<16xf32>
        %add3A_635 = arith.addf %add3A_626, %mul3A_634 : vector<16xf32>
        %gather3A_636 = vector.shape_cast %broadcast_in_dim3A_187 : vector<16x1xi32> to vector<16xi32>
        %gather3A_637 = tpu.dynamic_gather %get3A_527[%gather3A_636] in [0] : vector<16xf32>, vector<16xi32> -> vector<16xf32>
        %get3A_638 = arith.constant 44 : i32
        %get3A_639 = arith.index_cast %get3A_638 : i32 to index
        %get3A_640 = arith.index_cast %mul3A_232 : i32 to index
        %get3A_641 = tpu.vector_load %arg6[%get3A_639, %get3A_640] {strides = array<i32>} : memref<64x128xf32, #tpu.memory_space<vmem>>, vector<1x16xf32>,
        %get3A_642 = vector.shape_cast %get3A_641 : vector<1x16xf32> to vector<16xf32>
        %mul3A_643 = arith.mulf %gather3A_637, %get3A_642 : vector<16xf32>
        %add3A_644 = arith.addf %add3A_635, %mul3A_643 : vector<16xf32>
        %gather3A_645 = vector.shape_cast %broadcast_in_dim3A_189 : vector<16x1xi32> to vector<16xi32>
        %gather3A_646 = tpu.dynamic_gather %get3A_527[%gather3A_645] in [0] : vector<16xf32>, vector<16xi32> -> vector<16xf32>
        %get3A_647 = arith.constant 45 : i32
        %get3A_648 = arith.index_cast %get3A_647 : i32 to index
        %get3A_649 = arith.index_cast %mul3A_232 : i32 to index
        %get3A_650 = tpu.vector_load %arg6[%get3A_648, %get3A_649] {strides = array<i32>} : memref<64x128xf32, #tpu.memory_space<vmem>>, vector<1x16xf32>,
        %get3A_651 = vector.shape_cast %get3A_650 : vector<1x16xf32> to vector<16xf32>
        %mul3A_652 = arith.mulf %gather3A_646, %get3A_651 : vector<16xf32>
        %add3A_653 = arith.addf %add3A_644, %mul3A_652 : vector<16xf32>
        %gather3A_654 = vector.shape_cast %broadcast_in_dim3A_191 : vector<16x1xi32> to vector<16xi32>
        %gather3A_655 = tpu.dynamic_gather %get3A_527[%gather3A_654] in [0] : vector<16xf32>, vector<16xi32> -> vector<16xf32>
        %get3A_656 = arith.constant 46 : i32
        %get3A_657 = arith.index_cast %get3A_656 : i32 to index
        %get3A_658 = arith.index_cast %mul3A_232 : i32 to index
        %get3A_659 = tpu.vector_load %arg6[%get3A_657, %get3A_658] {strides = array<i32>} : memref<64x128xf32, #tpu.memory_space<vmem>>, vector<1x16xf32>,
        %get3A_660 = vector.shape_cast %get3A_659 : vector<1x16xf32> to vector<16xf32>
        %mul3A_661 = arith.mulf %gather3A_655, %get3A_660 : vector<16xf32>
        %add3A_662 = arith.addf %add3A_653, %mul3A_661 : vector<16xf32>
        %gather3A_663 = vector.shape_cast %broadcast_in_dim3A_193 : vector<16x1xi32> to vector<16xi32>
        %gather3A_664 = tpu.dynamic_gather %get3A_527[%gather3A_663] in [0] : vector<16xf32>, vector<16xi32> -> vector<16xf32>
        %get3A_665 = arith.constant 47 : i32
        %get3A_666 = arith.index_cast %get3A_665 : i32 to index
        %get3A_667 = arith.index_cast %mul3A_232 : i32 to index
        %get3A_668 = tpu.vector_load %arg6[%get3A_666, %get3A_667] {strides = array<i32>} : memref<64x128xf32, #tpu.memory_space<vmem>>, vector<1x16xf32>,
        %get3A_669 = vector.shape_cast %get3A_668 : vector<1x16xf32> to vector<16xf32>
        %mul3A_670 = arith.mulf %gather3A_664, %get3A_669 : vector<16xf32>
        %add3A_671 = arith.addf %add3A_662, %mul3A_670 : vector<16xf32>
        %get3A_672 = arith.constant 48 : index
        %get3A_673 = tpu.vector_load %arg8[%get3A_672] {strides = array<i32>} : memref<64xf32, #tpu.memory_space<vmem>>, vector<16xf32>,
        %get3A_674 = vector.shape_cast %get3A_673 : vector<16xf32> to vector<16xf32>
        %gather3A_675 = vector.shape_cast %broadcast_in_dim3A_163 : vector<16x1xi32> to vector<16xi32>
        %gather3A_676 = tpu.dynamic_gather %get3A_674[%gather3A_675] in [0] : vector<16xf32>, vector<16xi32> -> vector<16xf32>
        %get3A_677 = arith.constant 48 : i32
        %get3A_678 = arith.index_cast %get3A_677 : i32 to index
        %get3A_679 = arith.index_cast %mul3A_232 : i32 to index
        %get3A_680 = tpu.vector_load %arg6[%get3A_678, %get3A_679] {strides = array<i32>} : memref<64x128xf32, #tpu.memory_space<vmem>>, vector<1x16xf32>,
        %get3A_681 = vector.shape_cast %get3A_680 : vector<1x16xf32> to vector<16xf32>
        %mul3A_682 = arith.mulf %gather3A_676, %get3A_681 : vector<16xf32>
        %add3A_683 = arith.addf %add3A_671, %mul3A_682 : vector<16xf32>
        %gather3A_684 = vector.shape_cast %broadcast_in_dim3A_165 : vector<16x1xi32> to vector<16xi32>
        %gather3A_685 = tpu.dynamic_gather %get3A_674[%gather3A_684] in [0] : vector<16xf32>, vector<16xi32> -> vector<16xf32>
        %get3A_686 = arith.constant 49 : i32
        %get3A_687 = arith.index_cast %get3A_686 : i32 to index
        %get3A_688 = arith.index_cast %mul3A_232 : i32 to index
        %get3A_689 = tpu.vector_load %arg6[%get3A_687, %get3A_688] {strides = array<i32>} : memref<64x128xf32, #tpu.memory_space<vmem>>, vector<1x16xf32>,
        %get3A_690 = vector.shape_cast %get3A_689 : vector<1x16xf32> to vector<16xf32>
        %mul3A_691 = arith.mulf %gather3A_685, %get3A_690 : vector<16xf32>
        %add3A_692 = arith.addf %add3A_683, %mul3A_691 : vector<16xf32>
        %gather3A_693 = vector.shape_cast %broadcast_in_dim3A_167 : vector<16x1xi32> to vector<16xi32>
        %gather3A_694 = tpu.dynamic_gather %get3A_674[%gather3A_693] in [0] : vector<16xf32>, vector<16xi32> -> vector<16xf32>
        %get3A_695 = arith.constant 50 : i32
        %get3A_696 = arith.index_cast %get3A_695 : i32 to index
        %get3A_697 = arith.index_cast %mul3A_232 : i32 to index
        %get3A_698 = tpu.vector_load %arg6[%get3A_696, %get3A_697] {strides = array<i32>} : memref<64x128xf32, #tpu.memory_space<vmem>>, vector<1x16xf32>,
        %get3A_699 = vector.shape_cast %get3A_698 : vector<1x16xf32> to vector<16xf32>
        %mul3A_700 = arith.mulf %gather3A_694, %get3A_699 : vector<16xf32>
        %add3A_701 = arith.addf %add3A_692, %mul3A_700 : vector<16xf32>
        %gather3A_702 = vector.shape_cast %broadcast_in_dim3A_169 : vector<16x1xi32> to vector<16xi32>
        %gather3A_703 = tpu.dynamic_gather %get3A_674[%gather3A_702] in [0] : vector<16xf32>, vector<16xi32> -> vector<16xf32>
        %get3A_704 = arith.constant 51 : i32
        %get3A_705 = arith.index_cast %get3A_704 : i32 to index
        %get3A_706 = arith.index_cast %mul3A_232 : i32 to index
        %get3A_707 = tpu.vector_load %arg6[%get3A_705, %get3A_706] {strides = array<i32>} : memref<64x128xf32, #tpu.memory_space<vmem>>, vector<1x16xf32>,
        %get3A_708 = vector.shape_cast %get3A_707 : vector<1x16xf32> to vector<16xf32>
        %mul3A_709 = arith.mulf %gather3A_703, %get3A_708 : vector<16xf32>
        %add3A_710 = arith.addf %add3A_701, %mul3A_709 : vector<16xf32>
        %gather3A_711 = vector.shape_cast %broadcast_in_dim3A_171 : vector<16x1xi32> to vector<16xi32>
        %gather3A_712 = tpu.dynamic_gather %get3A_674[%gather3A_711] in [0] : vector<16xf32>, vector<16xi32> -> vector<16xf32>
        %get3A_713 = arith.constant 52 : i32
        %get3A_714 = arith.index_cast %get3A_713 : i32 to index
        %get3A_715 = arith.index_cast %mul3A_232 : i32 to index
        %get3A_716 = tpu.vector_load %arg6[%get3A_714, %get3A_715] {strides = array<i32>} : memref<64x128xf32, #tpu.memory_space<vmem>>, vector<1x16xf32>,
        %get3A_717 = vector.shape_cast %get3A_716 : vector<1x16xf32> to vector<16xf32>
        %mul3A_718 = arith.mulf %gather3A_712, %get3A_717 : vector<16xf32>
        %add3A_719 = arith.addf %add3A_710, %mul3A_718 : vector<16xf32>
        %gather3A_720 = vector.shape_cast %broadcast_in_dim3A_173 : vector<16x1xi32> to vector<16xi32>
        %gather3A_721 = tpu.dynamic_gather %get3A_674[%gather3A_720] in [0] : vector<16xf32>, vector<16xi32> -> vector<16xf32>
        %get3A_722 = arith.constant 53 : i32
        %get3A_723 = arith.index_cast %get3A_722 : i32 to index
        %get3A_724 = arith.index_cast %mul3A_232 : i32 to index
        %get3A_725 = tpu.vector_load %arg6[%get3A_723, %get3A_724] {strides = array<i32>} : memref<64x128xf32, #tpu.memory_space<vmem>>, vector<1x16xf32>,
        %get3A_726 = vector.shape_cast %get3A_725 : vector<1x16xf32> to vector<16xf32>
        %mul3A_727 = arith.mulf %gather3A_721, %get3A_726 : vector<16xf32>
        %add3A_728 = arith.addf %add3A_719, %mul3A_727 : vector<16xf32>
        %gather3A_729 = vector.shape_cast %broadcast_in_dim3A_175 : vector<16x1xi32> to vector<16xi32>
        %gather3A_730 = tpu.dynamic_gather %get3A_674[%gather3A_729] in [0] : vector<16xf32>, vector<16xi32> -> vector<16xf32>
        %get3A_731 = arith.constant 54 : i32
        %get3A_732 = arith.index_cast %get3A_731 : i32 to index
        %get3A_733 = arith.index_cast %mul3A_232 : i32 to index
        %get3A_734 = tpu.vector_load %arg6[%get3A_732, %get3A_733] {strides = array<i32>} : memref<64x128xf32, #tpu.memory_space<vmem>>, vector<1x16xf32>,
        %get3A_735 = vector.shape_cast %get3A_734 : vector<1x16xf32> to vector<16xf32>
        %mul3A_736 = arith.mulf %gather3A_730, %get3A_735 : vector<16xf32>
        %add3A_737 = arith.addf %add3A_728, %mul3A_736 : vector<16xf32>
        %gather3A_738 = vector.shape_cast %broadcast_in_dim3A_177 : vector<16x1xi32> to vector<16xi32>
        %gather3A_739 = tpu.dynamic_gather %get3A_674[%gather3A_738] in [0] : vector<16xf32>, vector<16xi32> -> vector<16xf32>
        %get3A_740 = arith.constant 55 : i32
        %get3A_741 = arith.index_cast %get3A_740 : i32 to index
        %get3A_742 = arith.index_cast %mul3A_232 : i32 to index
        %get3A_743 = tpu.vector_load %arg6[%get3A_741, %get3A_742] {strides = array<i32>} : memref<64x128xf32, #tpu.memory_space<vmem>>, vector<1x16xf32>,
        %get3A_744 = vector.shape_cast %get3A_743 : vector<1x16xf32> to vector<16xf32>
        %mul3A_745 = arith.mulf %gather3A_739, %get3A_744 : vector<16xf32>
        %add3A_746 = arith.addf %add3A_737, %mul3A_745 : vector<16xf32>
        %gather3A_747 = vector.shape_cast %broadcast_in_dim3A_179 : vector<16x1xi32> to vector<16xi32>
        %gather3A_748 = tpu.dynamic_gather %get3A_674[%gather3A_747] in [0] : vector<16xf32>, vector<16xi32> -> vector<16xf32>
        %get3A_749 = arith.constant 56 : i32
        %get3A_750 = arith.index_cast %get3A_749 : i32 to index
        %get3A_751 = arith.index_cast %mul3A_232 : i32 to index
        %get3A_752 = tpu.vector_load %arg6[%get3A_750, %get3A_751] {strides = array<i32>} : memref<64x128xf32, #tpu.memory_space<vmem>>, vector<1x16xf32>,
        %get3A_753 = vector.shape_cast %get3A_752 : vector<1x16xf32> to vector<16xf32>
        %mul3A_754 = arith.mulf %gather3A_748, %get3A_753 : vector<16xf32>
        %add3A_755 = arith.addf %add3A_746, %mul3A_754 : vector<16xf32>
        %gather3A_756 = vector.shape_cast %broadcast_in_dim3A_181 : vector<16x1xi32> to vector<16xi32>
        %gather3A_757 = tpu.dynamic_gather %get3A_674[%gather3A_756] in [0] : vector<16xf32>, vector<16xi32> -> vector<16xf32>
        %get3A_758 = arith.constant 57 : i32
        %get3A_759 = arith.index_cast %get3A_758 : i32 to index
        %get3A_760 = arith.index_cast %mul3A_232 : i32 to index
        %get3A_761 = tpu.vector_load %arg6[%get3A_759, %get3A_760] {strides = array<i32>} : memref<64x128xf32, #tpu.memory_space<vmem>>, vector<1x16xf32>,
        %get3A_762 = vector.shape_cast %get3A_761 : vector<1x16xf32> to vector<16xf32>
        %mul3A_763 = arith.mulf %gather3A_757, %get3A_762 : vector<16xf32>
        %add3A_764 = arith.addf %add3A_755, %mul3A_763 : vector<16xf32>
        %gather3A_765 = vector.shape_cast %broadcast_in_dim3A_183 : vector<16x1xi32> to vector<16xi32>
        %gather3A_766 = tpu.dynamic_gather %get3A_674[%gather3A_765] in [0] : vector<16xf32>, vector<16xi32> -> vector<16xf32>
        %get3A_767 = arith.constant 58 : i32
        %get3A_768 = arith.index_cast %get3A_767 : i32 to index
        %get3A_769 = arith.index_cast %mul3A_232 : i32 to index
        %get3A_770 = tpu.vector_load %arg6[%get3A_768, %get3A_769] {strides = array<i32>} : memref<64x128xf32, #tpu.memory_space<vmem>>, vector<1x16xf32>,
        %get3A_771 = vector.shape_cast %get3A_770 : vector<1x16xf32> to vector<16xf32>
        %mul3A_772 = arith.mulf %gather3A_766, %get3A_771 : vector<16xf32>
        %add3A_773 = arith.addf %add3A_764, %mul3A_772 : vector<16xf32>
        %gather3A_774 = vector.shape_cast %broadcast_in_dim3A_185 : vector<16x1xi32> to vector<16xi32>
        %gather3A_775 = tpu.dynamic_gather %get3A_674[%gather3A_774] in [0] : vector<16xf32>, vector<16xi32> -> vector<16xf32>
        %get3A_776 = arith.constant 59 : i32
        %get3A_777 = arith.index_cast %get3A_776 : i32 to index
        %get3A_778 = arith.index_cast %mul3A_232 : i32 to index
        %get3A_779 = tpu.vector_load %arg6[%get3A_777, %get3A_778] {strides = array<i32>} : memref<64x128xf32, #tpu.memory_space<vmem>>, vector<1x16xf32>,
        %get3A_780 = vector.shape_cast %get3A_779 : vector<1x16xf32> to vector<16xf32>
        %mul3A_781 = arith.mulf %gather3A_775, %get3A_780 : vector<16xf32>
        %add3A_782 = arith.addf %add3A_773, %mul3A_781 : vector<16xf32>
        %gather3A_783 = vector.shape_cast %broadcast_in_dim3A_187 : vector<16x1xi32> to vector<16xi32>
        %gather3A_784 = tpu.dynamic_gather %get3A_674[%gather3A_783] in [0] : vector<16xf32>, vector<16xi32> -> vector<16xf32>
        %get3A_785 = arith.constant 60 : i32
        %get3A_786 = arith.index_cast %get3A_785 : i32 to index
        %get3A_787 = arith.index_cast %mul3A_232 : i32 to index
        %get3A_788 = tpu.vector_load %arg6[%get3A_786, %get3A_787] {strides = array<i32>} : memref<64x128xf32, #tpu.memory_space<vmem>>, vector<1x16xf32>,
        %get3A_789 = vector.shape_cast %get3A_788 : vector<1x16xf32> to vector<16xf32>
        %mul3A_790 = arith.mulf %gather3A_784, %get3A_789 : vector<16xf32>
        %add3A_791 = arith.addf %add3A_782, %mul3A_790 : vector<16xf32>
        %gather3A_792 = vector.shape_cast %broadcast_in_dim3A_189 : vector<16x1xi32> to vector<16xi32>
        %gather3A_793 = tpu.dynamic_gather %get3A_674[%gather3A_792] in [0] : vector<16xf32>, vector<16xi32> -> vector<16xf32>
        %get3A_794 = arith.constant 61 : i32
        %get3A_795 = arith.index_cast %get3A_794 : i32 to index
        %get3A_796 = arith.index_cast %mul3A_232 : i32 to index
        %get3A_797 = tpu.vector_load %arg6[%get3A_795, %get3A_796] {strides = array<i32>} : memref<64x128xf32, #tpu.memory_space<vmem>>, vector<1x16xf32>,
        %get3A_798 = vector.shape_cast %get3A_797 : vector<1x16xf32> to vector<16xf32>
        %mul3A_799 = arith.mulf %gather3A_793, %get3A_798 : vector<16xf32>
        %add3A_800 = arith.addf %add3A_791, %mul3A_799 : vector<16xf32>
        %gather3A_801 = vector.shape_cast %broadcast_in_dim3A_191 : vector<16x1xi32> to vector<16xi32>
        %gather3A_802 = tpu.dynamic_gather %get3A_674[%gather3A_801] in [0] : vector<16xf32>, vector<16xi32> -> vector<16xf32>
        %get3A_803 = arith.constant 62 : i32
        %get3A_804 = arith.index_cast %get3A_803 : i32 to index
        %get3A_805 = arith.index_cast %mul3A_232 : i32 to index
        %get3A_806 = tpu.vector_load %arg6[%get3A_804, %get3A_805] {strides = array<i32>} : memref<64x128xf32, #tpu.memory_space<vmem>>, vector<1x16xf32>,
        %get3A_807 = vector.shape_cast %get3A_806 : vector<1x16xf32> to vector<16xf32>
        %mul3A_808 = arith.mulf %gather3A_802, %get3A_807 : vector<16xf32>
        %add3A_809 = arith.addf %add3A_800, %mul3A_808 : vector<16xf32>
        %gather3A_810 = vector.shape_cast %broadcast_in_dim3A_193 : vector<16x1xi32> to vector<16xi32>
        %gather3A_811 = tpu.dynamic_gather %get3A_674[%gather3A_810] in [0] : vector<16xf32>, vector<16xi32> -> vector<16xf32>
        %get3A_812 = arith.constant 63 : i32
        %get3A_813 = arith.index_cast %get3A_812 : i32 to index
        %get3A_814 = arith.index_cast %mul3A_232 : i32 to index
        %get3A_815 = tpu.vector_load %arg6[%get3A_813, %get3A_814] {strides = array<i32>} : memref<64x128xf32, #tpu.memory_space<vmem>>, vector<1x16xf32>,
        %get3A_816 = vector.shape_cast %get3A_815 : vector<1x16xf32> to vector<16xf32>
        %mul3A_817 = arith.mulf %gather3A_811, %get3A_816 : vector<16xf32>
        %add3A_818 = arith.addf %add3A_809, %mul3A_817 : vector<16xf32>
        %swap3A = arith.index_cast %mul3A_232 : i32 to index
        %swap3A_819 = tpu.vector_load %arg10[%swap3A] {strides = array<i32>} : memref<128xf32, #tpu.memory_space<vmem>>, vector<16xf32>,
        %swap3A_820 = vector.shape_cast %swap3A_819 : vector<16xf32> to vector<16xf32>
        %swap3A_821 = vector.shape_cast %add3A_818 : vector<16xf32> to vector<16xf32>
        tpu.vector_store %arg10[%swap3A], %swap3A_821 {strides = array<i32>} : memref<128xf32, #tpu.memory_space<vmem>>, vector<16xf32>,
        %scan3A_822 = arith.constant 0 : i32
        scf.yield %scan3A_822 : i32
      }
      %scan3A_200 = arith.constant 8 : i32
      %add3A_201 = arith.constant 2 : i32
      %add3A_202 = arith.addi %add3A_141, %add3A_201 : i32
      %rem3A_203 = arith.constant 32 : i32
      %rem3A_204 = arith.remsi %add3A_202, %rem3A_203 : i32
      %add3A_205 = arith.addi %mul3A_2, %rem3A_204 : i32
      %dma_start3A_206 = arith.constant 0 : i32
      %dma_start3A_207 = arith.constant 896 : i32
      %dma_start3A_208 = tpu.memref_slice %arg2[%add3A_205, %dma_start3A_206, %dma_start3A_207] : memref<1024x64x1024xf32, #tpu.memory_space<hbm>> -> memref<1x64x128xf32, #tpu.memory_space<hbm>>
      %dma_start3A_209 = tpu.memref_squeeze %dma_start3A_208 : memref<1x64x128xf32, #tpu.memory_space<hbm>> -> memref<64x128xf32, #tpu.memory_space<hbm>>
      %dma_start3A_210 = arith.constant 0 : i32
      %dma_start3A_211 = arith.constant 896 : i32
      %dma_start3A_212 = tpu.memref_slice %arg2[%add3A_205, %dma_start3A_210, %dma_start3A_211] : memref<1024x64x1024xf32, #tpu.memory_space<hbm>> -> memref<1x64x128xf32, #tpu.memory_space<hbm>>
      %dma_start3A_213 = tpu.memref_squeeze %dma_start3A_212 : memref<1x64x128xf32, #tpu.memory_space<hbm>> -> memref<64x128xf32, #tpu.memory_space<hbm>>
      tpu.enqueue_dma source(%dma_start3A_213 : memref<64x128xf32, #tpu.memory_space<hbm>>) target(%arg6 : memref<64x128xf32, #tpu.memory_space<vmem>>) target_semaphore(%arg12 : memref<!tpu.dma_semaphore, #tpu.memory_space<semaphore_mem>>)
      %dma_start3A_214 = arith.constant 0 : i32
      %dma_start3A_215 = tpu.memref_slice %arg3[%add3A_205, %dma_start3A_214] : memref<1024x64xf32, #tpu.memory_space<hbm>> -> memref<1x64xf32, #tpu.memory_space<hbm>>
      %dma_start3A_216 = tpu.memref_squeeze %dma_start3A_215 : memref<1x64xf32, #tpu.memory_space<hbm>> -> memref<64xf32, #tpu.memory_space<hbm>>
      %dma_start3A_217 = arith.constant 0 : i32
      %dma_start3A_218 = tpu.memref_slice %arg3[%add3A_205, %dma_start3A_217] : memref<1024x64xf32, #tpu.memory_space<hbm>> -> memref<1x64xf32, #tpu.memory_space<hbm>>
      %dma_start3A_219 = tpu.memref_squeeze %dma_start3A_218 : memref<1x64xf32, #tpu.memory_space<hbm>> -> memref<64xf32, #tpu.memory_space<hbm>>
      tpu.enqueue_dma source(%dma_start3A_219 : memref<64xf32, #tpu.memory_space<hbm>>) target(%arg8 : memref<64xf32, #tpu.memory_space<vmem>>) target_semaphore(%arg14 : memref<!tpu.dma_semaphore, #tpu.memory_space<semaphore_mem>>)
      %dma_start3A_220 = arith.constant 0 : i32
      %dma_start3A_221 = tpu.memref_slice %arg4[%add3A_142, %dma_start3A_220] : memref<1024x128xf32, #tpu.memory_space<hbm>> -> memref<1x128xf32, #tpu.memory_space<hbm>>
      %dma_start3A_222 = tpu.memref_squeeze %dma_start3A_221 : memref<1x128xf32, #tpu.memory_space<hbm>> -> memref<128xf32, #tpu.memory_space<hbm>>
      %dma_start3A_223 = arith.constant 0 : i32
      %dma_start3A_224 = tpu.memref_slice %arg4[%add3A_142, %dma_start3A_223] : memref<1024x128xf32, #tpu.memory_space<hbm>> -> memref<1x128xf32, #tpu.memory_space<hbm>>
      %dma_start3A_225 = tpu.memref_squeeze %dma_start3A_224 : memref<1x128xf32, #tpu.memory_space<hbm>> -> memref<128xf32, #tpu.memory_space<hbm>>
      tpu.enqueue_dma source(%arg10 : memref<128xf32, #tpu.memory_space<vmem>>) target(%dma_start3A_225 : memref<128xf32, #tpu.memory_space<hbm>>) target_semaphore(%arg16 : memref<!tpu.dma_semaphore, #tpu.memory_space<semaphore_mem>>)
      %scan3A_226 = arith.constant 0 : i32
      scf.yield %scan3A_226 : i32
    }
    %scan3A_43 = arith.constant 16 : i32
    %dma_wait3A = arith.constant 0 : i32
    %dma_wait3A_44 = tpu.memref_slice %arg4[%mul3A_2, %dma_wait3A] : memref<1024x128xf32, #tpu.memory_space<hbm>> -> memref<1x128xf32, #tpu.memory_space<hbm>>
    %dma_wait3A_45 = tpu.memref_squeeze %dma_wait3A_44 : memref<1x128xf32, #tpu.memory_space<hbm>> -> memref<128xf32, #tpu.memory_space<hbm>>
    %dma_wait3A_46 = arith.constant 0 : i32
    %dma_wait3A_47 = tpu.memref_slice %arg4[%mul3A_2, %dma_wait3A_46] : memref<1024x128xf32, #tpu.memory_space<hbm>> -> memref<1x128xf32, #tpu.memory_space<hbm>>
    %dma_wait3A_48 = tpu.memref_squeeze %dma_wait3A_47 : memref<1x128xf32, #tpu.memory_space<hbm>> -> memref<128xf32, #tpu.memory_space<hbm>>
    tpu.wait_dma2 semaphore(%arg15 : memref<!tpu.dma_semaphore, #tpu.memory_space<semaphore_mem>>) src(%arg9 : memref<128xf32, #tpu.memory_space<vmem>>) dst(%dma_wait3A_48 : memref<128xf32, #tpu.memory_space<hbm>>)
    %dma_wait3A_49 = arith.constant 0 : i32
    %dma_wait3A_50 = tpu.memref_slice %arg4[%mul3A_2, %dma_wait3A_49] : memref<1024x128xf32, #tpu.memory_space<hbm>> -> memref<1x128xf32, #tpu.memory_space<hbm>>
    %dma_wait3A_51 = tpu.memref_squeeze %dma_wait3A_50 : memref<1x128xf32, #tpu.memory_space<hbm>> -> memref<128xf32, #tpu.memory_space<hbm>>
    %dma_wait3A_52 = arith.constant 0 : i32
    %dma_wait3A_53 = tpu.memref_slice %arg4[%mul3A_2, %dma_wait3A_52] : memref<1024x128xf32, #tpu.memory_space<hbm>> -> memref<1x128xf32, #tpu.memory_space<hbm>>
    %dma_wait3A_54 = tpu.memref_squeeze %dma_wait3A_53 : memref<1x128xf32, #tpu.memory_space<hbm>> -> memref<128xf32, #tpu.memory_space<hbm>>
    tpu.wait_dma2 semaphore(%arg16 : memref<!tpu.dma_semaphore, #tpu.memory_space<semaphore_mem>>) src(%arg10 : memref<128xf32, #tpu.memory_space<vmem>>) dst(%dma_wait3A_54 : memref<128xf32, #tpu.memory_space<hbm>>)
    return
  }
}

module attributes {stable_mosaic.version = 14 : i64} {
  func.func @_einsum_body(%arg0: i32, %arg1: i32, %arg2: memref<128x64xf32, #tpu.memory_space<vmem>>, %arg3: memref<128x64x128xf32, #tpu.memory_space<vmem>>, %arg4: memref<128x128xf32, #tpu.memory_space<vmem>>) attributes {dimension_semantics = [#tpu.dimension_semantics<arbitrary>, #tpu.dimension_semantics<arbitrary>], iteration_bounds = array<i64: 8, 7>, scalar_prefetch = 0 : i64, scratch_operands = 0 : i64, tpu.core_type = #tpu.core_type<tc>, window_params = [{transform_indices = @transform_0, window_bounds = array<i64: 128, 64>}, {transform_indices = @transform_1, window_bounds = array<i64: 128, 64, 128>}, {transform_indices = @transform_2, window_bounds = array<i64: 128, 128>}]} {
    %get3A = arith.constant 0 : index
    %get3A_0 = arith.constant 0 : index
    %get3A_1 = vector.load %arg2[%get3A, %get3A_0] : memref<128x64xf32, #tpu.memory_space<vmem>>, vector<128x64xf32>
    %broadcast_in_dim3A = vector.shape_cast %get3A_1 : vector<128x64xf32> to vector<128x64x1xf32>
    %get3A_2 = arith.constant 0 : index
    %get3A_3 = arith.constant 0 : index
    %get3A_4 = arith.constant 0 : index
    %get3A_5 = vector.load %arg3[%get3A_2, %get3A_3, %get3A_4] : memref<128x64x128xf32, #tpu.memory_space<vmem>>, vector<128x64x128xf32>
    %mul3A = vector.broadcast %broadcast_in_dim3A : vector<128x64x1xf32> to vector<128x64x128xf32>
    %mul3A_6 = arith.mulf %get3A_5, %mul3A : vector<128x64x128xf32>
    %reduce_sum3A = arith.constant dense<0.000000e+00> : vector<128x128xf32>
    %reduce_sum3A_7 = vector.multi_reduction <add>, %mul3A_6, %reduce_sum3A [1] : vector<128x64x128xf32> to vector<128x128xf32>
    %swap3A = arith.constant 0 : index
    %swap3A_8 = arith.constant 0 : index
    %swap3A_9 = vector.load %arg4[%swap3A, %swap3A_8] : memref<128x128xf32, #tpu.memory_space<vmem>>, vector<128x128xf32>
    tpu.vector_store %arg4[%swap3A, %swap3A_8], %reduce_sum3A_7 {strides = array<i32>} : memref<128x128xf32, #tpu.memory_space<vmem>>, vector<128x128xf32>,
    return
  }
  func.func @transform_0(%arg0: i32, %arg1: i32) -> (i32, i32) {
    %c0_i32 = arith.constant 0 : i32
    %c0_i32_0 = arith.constant 0 : i32
    return %arg0, %c0_i32 : i32, i32
  }
  func.func @transform_1(%arg0: i32, %arg1: i32) -> (i32, i32, i32) {
    %c0_i32 = arith.constant 0 : i32
    %c0_i32_0 = arith.constant 0 : i32
    return %arg0, %c0_i32, %arg1 : i32, i32, i32
  }
  func.func @transform_2(%arg0: i32, %arg1: i32) -> (i32, i32) {
    %c0_i32 = arith.constant 0 : i32
    return %arg0, %arg1 : i32, i32
  }
}

module attributes {stable_mosaic.version = 14 : i64} {
  func.func @_lsm_body(%arg0: i32, %arg1: memref<128x896xf32, #tpu.memory_space<vmem>>, %arg2: memref<128x128xf32, #tpu.memory_space<vmem>>, %arg3: memref<128x1024xf32, #tpu.memory_space<vmem>>) attributes {dimension_semantics = [#tpu.dimension_semantics<arbitrary>], iteration_bounds = array<i64: 8>, scalar_prefetch = 0 : i64, scratch_operands = 0 : i64, tpu.core_type = #tpu.core_type<tc>, window_params = [{transform_indices = @transform_0, window_bounds = array<i64: 128, 896>}, {transform_indices = @transform_1, window_bounds = array<i64: 128, 128>}, {transform_indices = @transform_2, window_bounds = array<i64: 128, 1024>}]} {
    %get3A = arith.constant 0 : index
    %get3A_0 = arith.constant 0 : index
    %get3A_1 = vector.load %arg1[%get3A, %get3A_0] : memref<128x896xf32, #tpu.memory_space<vmem>>, vector<128x896xf32>
    %get3A_2 = arith.constant 0 : index
    %get3A_3 = arith.constant 0 : index
    %get3A_4 = vector.load %arg2[%get3A_2, %get3A_3] : memref<128x128xf32, #tpu.memory_space<vmem>>, vector<128x128xf32>
    %concatenate3A = tpu.concatenate %get3A_1, %get3A_4 in 1 : vector<128x896xf32>, vector<128x128xf32> -> vector<128x1024xf32>
    %transpose3A = tpu.transpose %concatenate3A, [1, 0] : vector<128x1024xf32> -> vector<1024x128xf32>
    %reduce_max3A = arith.constant dense<0xFF800000> : vector<128xf32>
    %reduce_max3A_5 = vector.multi_reduction <maximumf>, %transpose3A, %reduce_max3A [0] : vector<1024x128xf32> to vector<128xf32>
    %broadcast_in_dim3A = vector.shape_cast %reduce_max3A_5 : vector<128xf32> to vector<1x128xf32>
    %sub3A = vector.broadcast %broadcast_in_dim3A : vector<1x128xf32> to vector<1024x128xf32>
    %sub3A_6 = arith.subf %transpose3A, %sub3A : vector<1024x128xf32>
    %exp3A = math.exp %sub3A_6 : vector<1024x128xf32>
    %reduce_sum3A = arith.constant dense<0.000000e+00> : vector<128xf32>
    %reduce_sum3A_7 = vector.multi_reduction <add>, %exp3A, %reduce_sum3A [0] : vector<1024x128xf32> to vector<128xf32>
    %log3A = math.log %reduce_sum3A_7 : vector<128xf32>
    %add3A = arith.addf %reduce_max3A_5, %log3A : vector<128xf32>
    %broadcast_in_dim3A_8 = vector.shape_cast %add3A : vector<128xf32> to vector<1x128xf32>
    %sub3A_9 = vector.broadcast %broadcast_in_dim3A_8 : vector<1x128xf32> to vector<1024x128xf32>
    %sub3A_10 = arith.subf %transpose3A, %sub3A_9 : vector<1024x128xf32>
    %transpose3A_11 = tpu.transpose %sub3A_10, [1, 0] : vector<1024x128xf32> -> vector<128x1024xf32>
    %swap3A = arith.constant 0 : index
    %swap3A_12 = arith.constant 0 : index
    %swap3A_13 = vector.load %arg3[%swap3A, %swap3A_12] : memref<128x1024xf32, #tpu.memory_space<vmem>>, vector<128x1024xf32>
    tpu.vector_store %arg3[%swap3A, %swap3A_12], %transpose3A_11 {strides = array<i32>} : memref<128x1024xf32, #tpu.memory_space<vmem>>, vector<128x1024xf32>,
    return
  }
  func.func @transform_0(%arg0: i32) -> (i32, i32) {
    %c0_i32 = arith.constant 0 : i32
    %c0_i32_0 = arith.constant 0 : i32
    return %arg0, %c0_i32 : i32, i32
  }
  func.func @transform_1(%arg0: i32) -> (i32, i32) {
    %c0_i32 = arith.constant 0 : i32
    %c0_i32_0 = arith.constant 0 : i32
    return %arg0, %c0_i32 : i32, i32
  }
  func.func @transform_2(%arg0: i32) -> (i32, i32) {
    %c0_i32 = arith.constant 0 : i32
    %c0_i32_0 = arith.constant 0 : i32
    return %arg0, %c0_i32 : i32, i32
  }
}

module attributes {stable_mosaic.version = 14 : i64} {
  func.func @_mlp_body(%arg0: i32, %arg1: memref<128x1024xf32, #tpu.memory_space<vmem>>, %arg2: memref<1024x512xf32, #tpu.memory_space<vmem>>, %arg3: memref<1x512xf32, #tpu.memory_space<vmem>>, %arg4: memref<512x64xf32, #tpu.memory_space<vmem>>, %arg5: memref<1x64xf32, #tpu.memory_space<vmem>>, %arg6: memref<128x64xf32, #tpu.memory_space<vmem>>) attributes {dimension_semantics = [#tpu.dimension_semantics<arbitrary>], iteration_bounds = array<i64: 8>, scalar_prefetch = 0 : i64, scratch_operands = 0 : i64, tpu.core_type = #tpu.core_type<tc>, window_params = [{transform_indices = @transform_0, window_bounds = array<i64: 128, 1024>}, {pipeline_mode = #tpu.pipeline_mode<synchronous>, transform_indices = @transform_1, window_bounds = array<i64: 1024, 512>}, {pipeline_mode = #tpu.pipeline_mode<synchronous>, transform_indices = @transform_2, window_bounds = array<i64: 1, 512>}, {pipeline_mode = #tpu.pipeline_mode<synchronous>, transform_indices = @transform_3, window_bounds = array<i64: 512, 64>}, {pipeline_mode = #tpu.pipeline_mode<synchronous>, transform_indices = @transform_4, window_bounds = array<i64: 1, 64>}, {transform_indices = @transform_5, window_bounds = array<i64: 128, 64>}]} {
    %get3A = arith.constant 0 : index
    %get3A_0 = arith.constant 0 : index
    %get3A_1 = vector.load %arg1[%get3A, %get3A_0] : memref<128x1024xf32, #tpu.memory_space<vmem>>, vector<128x1024xf32>
    %convert_element_type3A = arith.truncf %get3A_1 : vector<128x1024xf32> to vector<128x1024xbf16>
    %get3A_2 = arith.constant 0 : index
    %get3A_3 = arith.constant 0 : index
    %get3A_4 = vector.load %arg2[%get3A_2, %get3A_3] : memref<1024x512xf32, #tpu.memory_space<vmem>>, vector<1024x512xf32>
    %convert_element_type3A_5 = arith.truncf %get3A_4 : vector<1024x512xf32> to vector<1024x512xbf16>
    %dot_general3A = arith.constant dense<0.000000e+00> : vector<128x512xf32>
    %dot_general3A_6 = tpu.matmul %convert_element_type3A, %convert_element_type3A_5, %dot_general3A {dimension_numbers = #tpu.dot_dimension_numbers<[1], [0], [0], [1], [0, 0, 1, 1], [], []>, transpose_lhs_hint = false} : vector<128x1024xbf16>, vector<1024x512xbf16>, vector<128x512xf32> -> vector<128x512xf32>
    %get3A_7 = arith.constant 0 : index
    %get3A_8 = arith.constant 0 : index
    %get3A_9 = vector.load %arg3[%get3A_7, %get3A_8] : memref<1x512xf32, #tpu.memory_space<vmem>>, vector<1x512xf32>
    %add3A = vector.broadcast %get3A_9 : vector<1x512xf32> to vector<128x512xf32>
    %add3A_10 = arith.addf %dot_general3A_6, %add3A : vector<128x512xf32>
    %max3A = arith.constant 0.000000e+00 : f32
    %max3A_11 = vector.broadcast %max3A : f32 to vector<128x512xf32>
    %max3A_12 = arith.maximumf %add3A_10, %max3A_11 : vector<128x512xf32>
    %convert_element_type3A_13 = arith.truncf %max3A_12 : vector<128x512xf32> to vector<128x512xbf16>
    %get3A_14 = arith.constant 0 : index
    %get3A_15 = arith.constant 0 : index
    %get3A_16 = vector.load %arg4[%get3A_14, %get3A_15] : memref<512x64xf32, #tpu.memory_space<vmem>>, vector<512x64xf32>
    %convert_element_type3A_17 = arith.truncf %get3A_16 : vector<512x64xf32> to vector<512x64xbf16>
    %dot_general3A_18 = arith.constant dense<0.000000e+00> : vector<128x64xf32>
    %dot_general3A_19 = tpu.matmul %convert_element_type3A_13, %convert_element_type3A_17, %dot_general3A_18 {dimension_numbers = #tpu.dot_dimension_numbers<[1], [0], [0], [1], [0, 0, 1, 1], [], []>, transpose_lhs_hint = false} : vector<128x512xbf16>, vector<512x64xbf16>, vector<128x64xf32> -> vector<128x64xf32>
    %get3A_20 = arith.constant 0 : index
    %get3A_21 = arith.constant 0 : index
    %get3A_22 = vector.load %arg5[%get3A_20, %get3A_21] : memref<1x64xf32, #tpu.memory_space<vmem>>, vector<1x64xf32>
    %add3A_23 = vector.broadcast %get3A_22 : vector<1x64xf32> to vector<128x64xf32>
    %add3A_24 = arith.addf %dot_general3A_19, %add3A_23 : vector<128x64xf32>
    %swap3A = arith.constant 0 : index
    %swap3A_25 = arith.constant 0 : index
    %swap3A_26 = vector.load %arg6[%swap3A, %swap3A_25] : memref<128x64xf32, #tpu.memory_space<vmem>>, vector<128x64xf32>
    tpu.vector_store %arg6[%swap3A, %swap3A_25], %add3A_24 {strides = array<i32>} : memref<128x64xf32, #tpu.memory_space<vmem>>, vector<128x64xf32>,
    return
  }
  func.func @transform_0(%arg0: i32) -> (i32, i32) {
    %c0_i32 = arith.constant 0 : i32
    %c0_i32_0 = arith.constant 0 : i32
    return %arg0, %c0_i32 : i32, i32
  }
  func.func @transform_1(%arg0: i32) -> (i32, i32) {
    %c0_i32 = arith.constant 0 : i32
    %c0_i32_0 = arith.constant 0 : i32
    %c0_i32_1 = arith.constant 0 : i32
    return %c0_i32, %c0_i32_0 : i32, i32
  }
  func.func @transform_2(%arg0: i32) -> (i32, i32) {
    %c0_i32 = arith.constant 0 : i32
    %c0_i32_0 = arith.constant 0 : i32
    %c0_i32_1 = arith.constant 0 : i32
    return %c0_i32, %c0_i32_0 : i32, i32
  }
  func.func @transform_3(%arg0: i32) -> (i32, i32) {
    %c0_i32 = arith.constant 0 : i32
    %c0_i32_0 = arith.constant 0 : i32
    %c0_i32_1 = arith.constant 0 : i32
    return %c0_i32, %c0_i32_0 : i32, i32
  }
  func.func @transform_4(%arg0: i32) -> (i32, i32) {
    %c0_i32 = arith.constant 0 : i32
    %c0_i32_0 = arith.constant 0 : i32
    %c0_i32_1 = arith.constant 0 : i32
    return %c0_i32, %c0_i32_0 : i32, i32
  }
  func.func @transform_5(%arg0: i32) -> (i32, i32) {
    %c0_i32 = arith.constant 0 : i32
    %c0_i32_0 = arith.constant 0 : i32
    return %arg0, %c0_i32 : i32, i32
  }
}

</mosaic_0001>

<sc_bundles>
// kernel: kernel.6.cloned.1.call-start
scs
__scs_entry_jumppad:
0x0: {  	(pc) =	sbr.rel $0x88, $3  }
0x1: {  	(tag) =	ssettag $0x0;
	lr =	simm.s32 $0x1  }
0x2: {  	[smem:$0x3F9B] =	sst lr;
	_ =	strace $0xD0000000  }
0x3: {  	_ = 	snop  }
0x4: {  	_ = 	snop  }
0x5: {  	_ = 	snop  }
0x6: {  	_ = 	snop  }
0x7: {  	_ = 	snop  }
__scs_overlays_trampoline_lowered:
0x8: {  	[smem:$0x3FAA] =	sst s0  }
0x9: {  	[smem:$0x3FAB] =	sst s1  }
0xa: {  	[smem:$0x3FAC] =	sst s2  }
0xb: {  	[smem:$0x3FAD] =	sst s3  }
0xc: {  	[smem:$0x3FAE] =	sst s4  }
0xd: {  	[smem:$0x3FAF] =	sst s5  }
0xe: {  	[smem:$0x3FB0] =	sst s6  }
0xf: {  	[smem:$0x3FB1] =	sst s7  }
0x10: {  	[smem:$0x3FB2] =	sst s8  }
0x11: {  	[smem:$0x3FB3] =	sst s9;
	s0 =	simm.s32 @!p0 $0x0  }
0x12: {  	s1 =	sld [smem:$0x3F99];
	s0 =	simm.s32 @p0 $0x1  }
0x13: {  	[smem:$0x3FB4] =	sst s0;
	s0 =	simm.s32 @!p1 $0x0  }
0x14: {  	s2 =	sld [smem:$0x3F98];
	s0 =	simm.s32 @p1 $0x1  }
0x15: {  	[smem:$0x3FB5] =	sst s0;
	s0 =	simm.s32 @!p2 $0x0  }
0x16: {  	s3 =	sld [smem:$0x3FDB];
	s0 =	simm.s32 @p2 $0x1  }
0x17: {  	s4 =	simm.s32 $0x1BF5;
	[smem:$0x3FB7] =	sst s0  }
0x18: {  	s0 =	sld [smem:$0x3F9A];
	_ =	swait.ge [sflag:s4], $0x0  }
0x19: {  	s7 =	sld [smem:$0x3F9B]  }
0x1a: {  	s8 =	sadd.s32 $0xFFFFE003, lr  }
0x1b: {  	s9 =	sadd.s32 $0xFFFFFEF7, lr;
	s5 =	simm.s32 $0xFFFFFFFF;
	p2 =	slt.u32 s8, $0xFFFFF086  }
0x1c: {  	p1 =	slt.u32 s9, $0xF7A;
	s5 =	simm.s32 @!p2 $0x0  }
0x1d: {  	s5 =	simm.s32 @p1 $0x1;
	p0 =	seq.s32 s7, s2  }
0x1e: {  	s7 =	smul.u32 @!p0 $0xF7A, s2;
	p2 =	seq.s32 @!p0 s5, $0x0  }
0x1f: {  	s9 =	smul.u32 $0xF7A, s1;
	s8 =	simm.s32 @!p0 $0x1BF5;
	p2 =	por !p2, p0  }
0x20: {  	[sflag:s8] =	ssyncset.s32 @!p0 $0xFFFFF086;
	s6 =	sadd.s32 @!p0 s3, s7;
	s7 =	simm.s32 @!p0 $0x108  }
0x21: {  	s3 =	sadd.s32 s3, s9;
	s6 =	sadd.s32 @!p0 $0x88, s6;
	s7 =	simm.s32 @p2 $0x1082  }
0x22: {  	[simem:s7], [sflag:s8] =	dma.local @!p0 [hbm:s6], $0xF7A  }
0x23: {  	s9 =	sor.u32 $0xD0000000, s2;
	s6 =	simm.s32 $0x108;
	_ =	swait.ge @!p0 [sflag:s8], $0x0  }
0x24: {  	s3 =	sadd.s32 $0x88, s3;
	s6 =	simm.s32 @!p1 $0x1082;
	[sflag:s4] =	ssyncset.s32 $0xFFFFF086  }
0x25: {  	[simem:s6], [sflag:s4] =	dma.local [hbm:s3], $0xF7A  }
0x26: {  	[smem:$0x3F9B] =	sst s1;
	(tag) =	ssettag s2;
	_ =	strace s9  }
0x27: {  	s1 =	sld [smem:$0x3FAB]  }
0x28: {  	s2 =	sld [smem:$0x3FAC]  }
0x29: {  	s4 =	sld [smem:$0x3FAE]  }
0x2a: {  	p0 =	seq.s32 s5, $0x0;
	s5 =	sld [smem:$0x3FAF]  }
0x2b: {  	s6 =	sld [smem:$0x3FB0]  }
0x2c: {  	s7 =	sld [smem:$0x3FB1]  }
0x2d: {  	s3 =	simm.s32 $0x108;
	s8 =	sld [smem:$0x3FB2]  }
0x2e: {  	s3 =	simm.s32 @!p0 $0x1082;
	s9 =	sld [smem:$0x3FB3]  }
0x2f: {  	lr =	sadd.s32 s0, s3;
	s0 =	sld [smem:$0x3FAA]  }
0x30: {  	s3 =	sld [smem:$0x3FAD]  }
0x31: {  	[smem:$0x3FB6] =	sst s10  }
0x32: {  	s10 =	sld [smem:$0x3FB4];
	_ =	sdelay $0x3  }
0x33: {  	p0 =	seq.s32 s10, $0x1;
	s10 =	sld [smem:$0x3FB6];
	_ =	sdelay $0x3  }
0x34: {  	[smem:$0x3FB6] =	sst s10  }
0x35: {  	s10 =	sld [smem:$0x3FB5];
	_ =	sdelay $0x3  }
0x36: {  	p1 =	seq.s32 s10, $0x1;
	s10 =	sld [smem:$0x3FB6];
	_ =	sdelay $0x3  }
0x37: {  	[smem:$0x3FB6] =	sst s10  }
0x38: {  	s10 =	sld [smem:$0x3FB7]  }
0x39: {  	_ = 	snop;
	(pc) =	sbr.ind lr, $3  }
0x3a: {  	_ = 	snop  }
0x3b: {  	_ = 	snop  }
0x3c: {  	p2 =	seq.s32 s10, $0x1;
	s10 =	sld [smem:$0x3FB6]  }
0x3d: {  	_ =	shalt  }
0x3e: {  	_ =	shalt  }
0x3f: {  	_ =	shalt  }
0x40: {  	_ =	shalt  }
0x41: {  	_ =	shalt  }
0x42: {  	_ =	shalt  }
0x43: {  	_ =	shalt  }
0x44: {  	_ =	shalt  }
0x45: {  	_ =	shalt  }
0x46: {  	_ =	shalt  }
0x47: {  	_ =	shalt  }
0x48: {  	_ =	shalt  }
0x49: {  	_ =	shalt  }
0x4a: {  	_ =	shalt  }
0x4b: {  	_ =	shalt  }
0x4c: {  	_ =	shalt  }
0x4d: {  	_ =	shalt  }
0x4e: {  	_ =	shalt  }
0x4f: {  	_ =	shalt  }
0x50: {  	_ =	shalt  }
0x51: {  	_ =	shalt  }
0x52: {  	_ =	shalt  }
0x53: {  	_ =	shalt  }
0x54: {  	_ =	shalt  }
0x55: {  	_ =	shalt  }
0x56: {  	_ =	shalt  }
0x57: {  	_ =	shalt  }
0x58: {  	_ =	shalt  }
0x59: {  	_ =	shalt  }
0x5a: {  	_ =	shalt  }
0x5b: {  	_ =	shalt  }
0x5c: {  	_ =	shalt  }
0x5d: {  	_ =	shalt  }
0x5e: {  	_ =	shalt  }
0x5f: {  	_ =	shalt  }
0x60: {  	_ =	shalt  }
0x61: {  	_ =	shalt  }
0x62: {  	_ =	shalt  }
0x63: {  	_ =	shalt  }
0x64: {  	_ =	shalt  }
0x65: {  	_ =	shalt  }
0x66: {  	_ =	shalt  }
0x67: {  	_ =	shalt  }
0x68: {  	_ =	shalt  }
0x69: {  	_ =	shalt  }
0x6a: {  	_ =	shalt  }
0x6b: {  	_ =	shalt  }
0x6c: {  	_ =	shalt  }
0x6d: {  	_ =	shalt  }
0x6e: {  	_ =	shalt  }
0x6f: {  	_ =	shalt  }
0x70: {  	_ =	shalt  }
0x71: {  	_ =	shalt  }
0x72: {  	_ =	shalt  }
0x73: {  	_ =	shalt  }
0x74: {  	_ =	shalt  }
0x75: {  	_ =	shalt  }
0x76: {  	_ =	shalt  }
0x77: {  	_ =	shalt  }
0x78: {  	_ =	shalt  }
0x79: {  	_ =	shalt  }
0x7a: {  	_ =	shalt  }
0x7b: {  	_ =	shalt  }
0x7c: {  	_ =	shalt  }
0x7d: {  	_ =	shalt  }
0x7e: {  	_ =	shalt  }
0x7f: {  	_ =	shalt  }
0x80: {  	_ =	shalt  }
0x81: {  	_ =	shalt  }
0x82: {  	_ =	shalt  }
0x83: {  	_ =	shalt  }
0x84: {  	_ =	shalt  }
0x85: {  	_ =	shalt  }
0x86: {  	_ =	shalt  }
0x87: {  	_ =	shalt  }
.Lfunc_end0:
.L_simem_size_0:
called_computation_lowered:
.L_overlay_start_0:
0x88: {  	s2 =	sld [smem:$0x3FD9]  }
0x89: {  	s3 =	sld [smem:$0x3FFE];
	_ =	sdelay $0x1  }
0x8a: {  	s1 =	srdreg.scid  }
0x8b: {  	s0 =	sand.u32 $0x1, s1  }
0x8c: {  	s17 =	sshll.u32 s0, $0xA;
	s2 =	sadd.s32 s3, s2  }
0x8d: {  	s2 =	sadd.s32 s2, s17  }
0x8e: {  	[smem:$0x3FC2] =	sst s2  }
0x8f: {  	_ = 	snop  }
0x90: {  	s2 =	sld [smem:$0x3FC8]  }
0x91: {  	s18 =	sld [smem:$0x3FD0];
	(tm) =	ssettm $0x1  }
0x92: {  	s4 =	sld [smem:$0x3FFB];
	_ =	sdelay $0x3  }
0x93: {  	_ =	strace s4  }
0x94: {  	s4 =	sld [smem:$0x3FFC];
	_ =	sdelay $0x3  }
0x95: {  	_ =	strace s4  }
0x96: {  	s4 =	sld [smem:$0x3FFD];
	_ =	sdelay $0x3  }
0x97: {  	_ =	strace s4  }
0x98: {  	_ =	strace $0x8FFFFFFF  }
0x99: {  	s19 =	sld [smem:$0x3FDB];
	_ =	sdelay $0x1  }
0x9a: {  	s5 =	simm.s32 $_scs_section_size  }
0x9b: {  	s6 =	simm.s32 $_size__tile_overlayer_lowered;
	s7 =	simm.s32 $_tile_overlayer_lowered  }
0x9c: {  	s22 =	simm.s32 $0x1BFF;
	s21 =	sshll.u32 s7, $0x1;
	s4 =	sadd.s32 s5, s19  }
0x9d: {  	s8 =	simm.s32 $0x0;
	s20 =	sshll.u32 s6, $0x1;
	s6 =	sadd.s32 s21, s4  }
0x9e: {  	[timem:s8], [sflag:s22] =	dma.local [hbm:s6], s20  }
0x9f: {  	_ =	swait.ge [sflag:s22], s20  }
0xa0: {  	s5 =	ssub.s32 $0x0, s20;
	[sflag:s22] =	ssyncset.done $0x0  }
0xa1: {  	[sflag:s22] =	ssyncadd.s32 s5;
	_ =	sdelay $0x1  }
0xa2: {  	s23 =	simm.s32 $0x1B8B  }
0xa3: {  	_ =	swait.ge [sflag:s23], $0x1  }
0xa4: {  	[sflag:s23] =	ssyncset.done $0x0  }
0xa5: {  	s25 =	simm.s32 $0x1B8E;
	s24 =	sld [smem:$0x3FFE];
	[sflag:s23] =	ssyncadd.s32 $0xFFFFFFFF  }
0xa6: {  	s26 =	simm.s32 $execute0_lowered;
	[smem:$0x3FD2] =	sst s25  }
0xa7: {  	s6 =	sshll.u32 s26, $0x1;
	_ =	strace $0x80000046;
	[dreg:$0x1] =	wrdreg $0xFFFFFFFF  }
0xa8: {  	s28 =	simm.s32 $_size_execute0_lowered;
	s4 =	sadd.s32 s4, s6;
	[dreg:$0x0] =	wrdreg $0x0  }
0xa9: {  	s6 =	sshll.u32 s28, $0x1;
	[dreg:$0x2] =	wrdreg s4  }
0xaa: {  	[dreg:$0x3] =	wrdreg s6  }
0xab: {  	[dreg:$0x4] =	wrdreg $0xC0  }
0xac: {  	_ =	task [dreg:s8], $0x5FFFF  }
0xad: {  	[dreg:$0x1] =	wrdreg $0xFFFFFFFF  }
0xae: {  	[dreg:$0x0] =	wrdreg $0x60  }
0xaf: {  	[dreg:$0x2] =	wrdreg s2  }
0xb0: {  	[dreg:$0x3] =	wrdreg s18  }
0xb1: {  	[dreg:$0x4] =	wrdreg s24  }
0xb2: {  	[dreg:$0x5] =	wrdreg $0x9  }
0xb3: {  	_ =	task.clear_ibuf [dreg:s8], $0x6FFFF;
	_ =	strace $0x90000046  }
0xb4: {  	s29 =	simm.s32 $0x9;
	_ =	strace $0x80000048  }
0xb5: {  	_ =	swait.ge [sflag:s29], $0x1  }
0xb6: {  	[sflag:s29] =	ssyncadd.s32 $0xFFFFFFFF  }
0xb7: {  	_ =	strace $0x90000048  }
0xb8: {  	_ =	sfence  }
0xb9: {  	s30 =	sld [smem:$0x0];
	_ =	sdelay $0x2  }
0xba: {  	s31 =	sshll.u32 s1, $0xD;
	s1 =	sshrl.u32 s1, $0x2  }
0xbb: {  	s3 =	sand.u32 $0x4000, s31;
	s1 =	sadd.s32 s1, s30  }
0xbc: {  	s0 =	sor.u32 s3, s0;
	s1 =	sshll.u32 s1, $0x11  }
0xbd: {  	s0 =	sor.u32 s1, s0  }
0xbe: {  	s0 =	sadd.s32 $0x8F2B, s0  }
0xbf: {  	[sflag:s0] =	ssyncadd.remote.s32 $0x1  }
0xc0: {  	_ =	sfence.sel $0xFFFF  }
0xc1: {  	[dreg:$0x0] =	wrdreg $0xFFFFFFFF;
	(pc) =	sbr.abs _section_cstart, $3  }
0xc2: {  	[dreg:$0x1] =	wrdreg $0xFFFFFFFF  }
0xc3: {  	_ =	task.clear_ibuf [dreg:s8], $0x2FFFF;
	_ =	strace $0x9FFFFFFF  }
0xc4: {  	(tm) =	ssettm $0x7FFFFFFF  }
0xc5: {  	_ =	shalt  }
tec
execute0_lowered:
.L_overlay_start_1:
0x0: {  	(tag) =	ssettag $0x1  }
0x1: {  	s0 =	rddreg [dreg:$0x0]  }
0x2: {  	s1 =	rddreg [dreg:$0x1]  }
0x3: {  	s5 =	rddreg [dreg:$0x2];
	s3 =	simm.s32 $0x0;
	s4 =	srdreg.scid  }
0x4: {  	s2 =	stileid.u32;
	s12 =	simm.s32 $0x400;
	s13 =	simm.s32 $0x2000  }
0x5: {  	s14 =	simm.s32 $0x4000;
	s15 =	simm.s32 $0x4080;
	s16 =	simm.s32 $0x1  }
0x6: {  	s17 =	simm.s32 $0x3;
	s18 =	simm.s32 $0x4100;
	s19 =	simm.s32 $0x2  }
0x7: {  	s20 =	simm.s32 $0x4;
	s21 =	simm.s32 $0x4180;
	s22 =	simm.s32 $0x5  }
0x8: {  	s23 =	simm.s32 $0x6;
	s24 =	simm.s32 $0x0;
	s4 =	sand.u32 $0x1, s4  }
0x9: {  	v0 =	vimm.s32 $0x0;
	[smem:$0x7FF] =	sst s3;
	s7 =	sshll.u32 s2, $0x6;
	s6 =	ssub.s32 $0x2, s4  }
0xa: {  	v1 =	vimm.s32 $0x1;
	v2 =	vimm.s32 $0x2;
	v3 =	vimm.s32 $0x3;
	s5 =	sadd.s32 $0x1200, s5;
	s4 =	sshll.u32 s4, $0x5;
	s8 =	sshrl.u32 s6, $0x1  }
0xb: {  	v4 =	vimm.s32 $0x4;
	v5 =	vimm.s32 $0x5;
	v6 =	vimm.s32 $0x6;
	_ =	strace $0x80000047;
	s4 =	sor.u32 s4, s7;
	s11 =	ssub.s32 s6, s8  }
0xc: {  	v7 =	vimm.s32 $0x7;
	v8 =	vimm.s32 $0x8;
	v9 =	vimm.s32 $0x9;
	s7 =	sshll.u32 s4, $0xD;
	s6 =	sadd.s32 $0x380, s0;
	s31 =	sshll.u32 s4, $0x4  }
0xd: {  	v10 =	vimm.s32 $0xA;
	v11 =	vimm.s32 $0xB;
	v12 =	vimm.s32 $0xC;
	s0 =	sadd.s32 s7, s0;
	s7 =	sadd.s32 s7, s6;
	s8 =	sadd.s32 s1, s31  }
0xe: {  	v13 =	vimm.s32 $0xD;
	v14 =	vimm.s32 $0xE;
	v15 =	vimm.s32 $0xF;
	s11 =	smax.u32 s11, $0x1;
	s9 =	sadd.s32 $0x2380, s0;
	s10 =	sadd.s32 $0x10, s8  }
.LBB2_1:
0xf: {  	[tilespmem:s3], [sflag:$0x1] =	stream.strided.gather [hbm4b:s7+s12], $0x2000, s13, s12, $0x38;
	[tilespmem:$0x4200] =	vst v63  }
0x10: {  	_ = 	snop  }
0x11: {  	[tilespmem:s14], [sflag:$0x3] =	stream.linear.gather [hbm4b:s8+s3], $0x80, $0x38;
	[tilespmem:$0x4200] =	vst v63  }
0x12: {  	_ = 	snop  }
0x13: {  	[tilespmem:s13], [sflag:$0x2] =	stream.strided.gather [hbm4b:s9+s12], $0x2000, s13, s12, $0x38;
	[tilespmem:$0x4200] =	vst v63  }
0x14: {  	s25 =	simm.s32 $0x0  }
0x15: {  	[tilespmem:s15], [sflag:$0x4] =	stream.linear.gather [hbm4b:s10+s3], $0x80, $0x38;
	[tilespmem:$0x4200] =	vst v63  }
.LBB2_2:
0x16: {  	p0 =	seq.s32 s25, $0x0  }
0x17: {  	s0 =	simm.s32 @!p0 $0x5  }
0x18: {  	_ =	swait.ge @!p0 [sflag:s0], $0x80  }
0x19: {  	[sflag:s0] =	ssyncset.done @!p0 $0x0  }
0x1a: {  	[sflag:s0] =	ssyncadd.s32 @!p0 $0xFFFFFF80  }
0x1b: {  	_ =	swait.ge [sflag:s16], $0x2000  }
0x1c: {  	[sflag:s16] =	ssyncset.done $0x0  }
0x1d: {  	[sflag:s16] =	ssyncadd.s32 $0xFFFFE000  }
0x1e: {  	_ =	swait.ge [sflag:s17], $0x80  }
0x1f: {  	[sflag:s17] =	ssyncset.done $0x0  }
0x20: {  	s26 =	sshll.u32 s25, $0x1;
	[sflag:s17] =	ssyncadd.s32 $0xFFFFFF80  }
0x21: {  	s29 =	simm.s32 $0x0;
	s30 =	simm.s32 $0x40;
	s28 =	sadd.s32 s4, s26;
	v16 =	vld [tilespmem:$0x4000]  }
.LBB2_3:
0x22: {  	p1 =	sne.s32 s30, $0x1C0;
	s31 =	sshra.s32 s29, $0x2;
	s29 =	smov.u32 s30  }
0x23: {  	v17 =	vld [tilespmem:s31+$0x0];
	_ =	sdelay $0x1  }
0x24: {  	v18 =	vld [tilespmem:s31+$0x80]  }
0x25: {  	v19 =	vperm.xlane v16, v0  }
0x26: {  	v20 =	vld [tilespmem:s31+$0x100]  }
0x27: {  	v17 =	vmul.f32 v17, v19;
	v19 =	vperm.xlane v16, v1  }
0x28: {  	v21 =	vld [tilespmem:s31+$0x180]  }
0x29: {  	v17 =	vadd.f32 $0.0e+00, v17;
	v18 =	vmul.f32 v18, v19;
	v19 =	vperm.xlane v16, v2  }
0x2a: {  	v22 =	vld [tilespmem:s31+$0x200]  }
0x2b: {  	v17 =	vadd.f32 v18, v17;
	v18 =	vmul.f32 v20, v19;
	v19 =	vperm.xlane v16, v3  }
0x2c: {  	v20 =	vld [tilespmem:s31+$0x280]  }
0x2d: {  	v17 =	vadd.f32 v18, v17;
	v18 =	vmul.f32 v21, v19;
	v19 =	vperm.xlane v16, v4  }
0x2e: {  	v21 =	vld [tilespmem:s31+$0x300]  }
0x2f: {  	v17 =	vadd.f32 v18, v17;
	v18 =	vmul.f32 v22, v19;
	v19 =	vperm.xlane v16, v5  }
0x30: {  	v22 =	vld [tilespmem:s31+$0x380]  }
0x31: {  	v17 =	vadd.f32 v18, v17;
	v18 =	vmul.f32 v20, v19;
	v19 =	vperm.xlane v16, v6  }
0x32: {  	v20 =	vld [tilespmem:s31+$0x400]  }
0x33: {  	v17 =	vadd.f32 v18, v17;
	v18 =	vmul.f32 v21, v19;
	v19 =	vperm.xlane v16, v7  }
0x34: {  	v21 =	vld [tilespmem:s31+$0x480]  }
0x35: {  	v17 =	vadd.f32 v18, v17;
	v18 =	vmul.f32 v22, v19;
	v19 =	vperm.xlane v16, v8  }
0x36: {  	v22 =	vld [tilespmem:s31+$0x500]  }
0x37: {  	v17 =	vadd.f32 v18, v17;
	v18 =	vmul.f32 v20, v19;
	v19 =	vperm.xlane v16, v9  }
0x38: {  	v20 =	vld [tilespmem:s31+$0x580]  }
0x39: {  	v17 =	vadd.f32 v18, v17;
	v18 =	vmul.f32 v21, v19;
	v19 =	vperm.xlane v16, v10  }
0x3a: {  	v21 =	vld [tilespmem:s31+$0x600]  }
0x3b: {  	v17 =	vadd.f32 v18, v17;
	v18 =	vmul.f32 v22, v19;
	v19 =	vperm.xlane v16, v11  }
0x3c: {  	v22 =	vld [tilespmem:s31+$0x680]  }
0x3d: {  	v17 =	vadd.f32 v18, v17;
	v18 =	vmul.f32 v20, v19;
	v19 =	vperm.xlane v16, v12  }
0x3e: {  	v20 =	vld [tilespmem:s31+$0x700]  }
0x3f: {  	v17 =	vadd.f32 v18, v17;
	v18 =	vmul.f32 v21, v19;
	v19 =	vperm.xlane v16, v13;
	v21 =	vld [tilespmem:s31+$0x780]  }
0x40: {  	v23 =	vld [tilespmem:$0x4010]  }
0x41: {  	v17 =	vadd.f32 v18, v17;
	v18 =	vmul.f32 v22, v19;
	v19 =	vperm.xlane v16, v14  }
0x42: {  	v22 =	vld [tilespmem:s31+$0x800]  }
0x43: {  	v16 =	vperm.xlane v16, v15;
	v17 =	vadd.f32 v18, v17;
	v18 =	vmul.f32 v20, v19  }
0x44: {  	v19 =	vld [tilespmem:s31+$0x880]  }
0x45: {  	v16 =	vmul.f32 v21, v16;
	v17 =	vadd.f32 v18, v17;
	v18 =	vperm.xlane v23, v0  }
0x46: {  	v20 =	vld [tilespmem:s31+$0x900]  }
0x47: {  	v16 =	vadd.f32 v16, v17;
	v17 =	vmul.f32 v22, v18;
	v18 =	vperm.xlane v23, v1  }
0x48: {  	v21 =	vld [tilespmem:s31+$0x980]  }
0x49: {  	v16 =	vadd.f32 v17, v16;
	v17 =	vmul.f32 v19, v18;
	v18 =	vperm.xlane v23, v2  }
0x4a: {  	v19 =	vld [tilespmem:s31+$0xA00]  }
0x4b: {  	v16 =	vadd.f32 v17, v16;
	v17 =	vmul.f32 v20, v18;
	v18 =	vperm.xlane v23, v3  }
0x4c: {  	v20 =	vld [tilespmem:s31+$0xA80]  }
0x4d: {  	v16 =	vadd.f32 v17, v16;
	v17 =	vmul.f32 v21, v18;
	v18 =	vperm.xlane v23, v4  }
0x4e: {  	v21 =	vld [tilespmem:s31+$0xB00]  }
0x4f: {  	v16 =	vadd.f32 v17, v16;
	v17 =	vmul.f32 v19, v18;
	v18 =	vperm.xlane v23, v5  }
0x50: {  	v19 =	vld [tilespmem:s31+$0xB80]  }
0x51: {  	v16 =	vadd.f32 v17, v16;
	v17 =	vmul.f32 v20, v18;
	v18 =	vperm.xlane v23, v6  }
0x52: {  	v20 =	vld [tilespmem:s31+$0xC00]  }
0x53: {  	v16 =	vadd.f32 v17, v16;
	v17 =	vmul.f32 v21, v18;
	v18 =	vperm.xlane v23, v7  }
0x54: {  	v21 =	vld [tilespmem:s31+$0xC80]  }
0x55: {  	v16 =	vadd.f32 v17, v16;
	v17 =	vmul.f32 v19, v18;
	v18 =	vperm.xlane v23, v8  }
0x56: {  	v19 =	vld [tilespmem:s31+$0xD00]  }
0x57: {  	v16 =	vadd.f32 v17, v16;
	v17 =	vmul.f32 v20, v18;
	v18 =	vperm.xlane v23, v9  }
0x58: {  	v20 =	vld [tilespmem:s31+$0xD80]  }
0x59: {  	v16 =	vadd.f32 v17, v16;
	v17 =	vmul.f32 v21, v18;
	v18 =	vperm.xlane v23, v10  }
0x5a: {  	v21 =	vld [tilespmem:s31+$0xE00]  }
0x5b: {  	v16 =	vadd.f32 v17, v16;
	v17 =	vmul.f32 v19, v18;
	v18 =	vperm.xlane v23, v11  }
0x5c: {  	v19 =	vld [tilespmem:s31+$0xE80]  }
0x5d: {  	v16 =	vadd.f32 v17, v16;
	v17 =	vmul.f32 v20, v18;
	v18 =	vperm.xlane v23, v12  }
0x5e: {  	v20 =	vld [tilespmem:s31+$0xF00]  }
0x5f: {  	v16 =	vadd.f32 v17, v16;
	v17 =	vmul.f32 v21, v18;
	v18 =	vperm.xlane v23, v13;
	v21 =	vld [tilespmem:s31+$0xF80]  }
0x60: {  	v22 =	vld [tilespmem:$0x4020]  }
0x61: {  	v16 =	vadd.f32 v17, v16;
	v17 =	vmul.f32 v19, v18;
	v18 =	vperm.xlane v23, v14  }
0x62: {  	v19 =	vld [tilespmem:s31+$0x1000]  }
0x63: {  	v16 =	vadd.f32 v17, v16;
	v17 =	vmul.f32 v20, v18;
	v18 =	vperm.xlane v23, v15  }
0x64: {  	v20 =	vld [tilespmem:s31+$0x1080]  }
0x65: {  	v16 =	vadd.f32 v17, v16;
	v17 =	vmul.f32 v21, v18;
	v18 =	vperm.xlane v22, v0  }
0x66: {  	v21 =	vld [tilespmem:s31+$0x1100]  }
0x67: {  	v16 =	vadd.f32 v17, v16;
	v17 =	vmul.f32 v19, v18;
	v18 =	vperm.xlane v22, v1  }
0x68: {  	v19 =	vld [tilespmem:s31+$0x1180]  }
0x69: {  	v16 =	vadd.f32 v17, v16;
	v17 =	vmul.f32 v20, v18;
	v18 =	vperm.xlane v22, v2  }
0x6a: {  	v20 =	vld [tilespmem:s31+$0x1200]  }
0x6b: {  	v16 =	vadd.f32 v17, v16;
	v17 =	vmul.f32 v21, v18;
	v18 =	vperm.xlane v22, v3  }
0x6c: {  	v21 =	vld [tilespmem:s31+$0x1280]  }
0x6d: {  	v16 =	vadd.f32 v17, v16;
	v17 =	vmul.f32 v19, v18;
	v18 =	vperm.xlane v22, v4  }
0x6e: {  	v19 =	vld [tilespmem:s31+$0x1300]  }
0x6f: {  	v16 =	vadd.f32 v17, v16;
	v17 =	vmul.f32 v20, v18;
	v18 =	vperm.xlane v22, v5  }
0x70: {  	v20 =	vld [tilespmem:s31+$0x1380]  }
0x71: {  	v16 =	vadd.f32 v17, v16;
	v17 =	vmul.f32 v21, v18;
	v18 =	vperm.xlane v22, v6  }
0x72: {  	v21 =	vld [tilespmem:s31+$0x1400]  }
0x73: {  	v16 =	vadd.f32 v17, v16;
	v17 =	vmul.f32 v19, v18;
	v18 =	vperm.xlane v22, v7  }
0x74: {  	v19 =	vld [tilespmem:s31+$0x1480]  }
0x75: {  	v16 =	vadd.f32 v17, v16;
	v17 =	vmul.f32 v20, v18;
	v18 =	vperm.xlane v22, v8  }
0x76: {  	v20 =	vld [tilespmem:s31+$0x1500]  }
0x77: {  	v16 =	vadd.f32 v17, v16;
	v17 =	vmul.f32 v21, v18;
	v18 =	vperm.xlane v22, v9  }
0x78: {  	v21 =	vld [tilespmem:s31+$0x1580]  }
0x79: {  	v16 =	vadd.f32 v17, v16;
	v17 =	vmul.f32 v19, v18;
	v18 =	vperm.xlane v22, v10  }
0x7a: {  	v19 =	vld [tilespmem:s31+$0x1600]  }
0x7b: {  	v16 =	vadd.f32 v17, v16;
	v17 =	vmul.f32 v20, v18;
	v18 =	vperm.xlane v22, v11  }
0x7c: {  	v20 =	vld [tilespmem:s31+$0x1680]  }
0x7d: {  	v16 =	vadd.f32 v17, v16;
	v17 =	vmul.f32 v21, v18;
	v18 =	vperm.xlane v22, v12  }
0x7e: {  	v21 =	vld [tilespmem:s31+$0x1700]  }
0x7f: {  	v16 =	vadd.f32 v17, v16;
	v17 =	vmul.f32 v19, v18;
	v18 =	vperm.xlane v22, v13;
	v19 =	vld [tilespmem:s31+$0x1780]  }
0x80: {  	v23 =	vld [tilespmem:$0x4030]  }
0x81: {  	v16 =	vadd.f32 v17, v16;
	v17 =	vmul.f32 v20, v18;
	v18 =	vperm.xlane v22, v14  }
0x82: {  	v20 =	vld [tilespmem:s31+$0x1800]  }
0x83: {  	v16 =	vadd.f32 v17, v16;
	v17 =	vmul.f32 v21, v18;
	v18 =	vperm.xlane v22, v15  }
0x84: {  	v21 =	vld [tilespmem:s31+$0x1880]  }
0x85: {  	v16 =	vadd.f32 v17, v16;
	v17 =	vmul.f32 v19, v18;
	v18 =	vperm.xlane v23, v0  }
0x86: {  	v19 =	vld [tilespmem:s31+$0x1900]  }
0x87: {  	v16 =	vadd.f32 v17, v16;
	v17 =	vmul.f32 v20, v18;
	v18 =	vperm.xlane v23, v1  }
0x88: {  	v20 =	vld [tilespmem:s31+$0x1980]  }
0x89: {  	v16 =	vadd.f32 v17, v16;
	v17 =	vmul.f32 v21, v18;
	v18 =	vperm.xlane v23, v2  }
0x8a: {  	v21 =	vld [tilespmem:s31+$0x1A00]  }
0x8b: {  	v16 =	vadd.f32 v17, v16;
	v17 =	vmul.f32 v19, v18;
	v18 =	vperm.xlane v23, v3  }
0x8c: {  	v19 =	vld [tilespmem:s31+$0x1A80]  }
0x8d: {  	v16 =	vadd.f32 v17, v16;
	v17 =	vmul.f32 v20, v18;
	v18 =	vperm.xlane v23, v4  }
0x8e: {  	v20 =	vld [tilespmem:s31+$0x1B00]  }
0x8f: {  	v16 =	vadd.f32 v17, v16;
	v17 =	vmul.f32 v21, v18;
	v18 =	vperm.xlane v23, v5  }
0x90: {  	v21 =	vld [tilespmem:s31+$0x1B80]  }
0x91: {  	v16 =	vadd.f32 v17, v16;
	v17 =	vmul.f32 v19, v18;
	v18 =	vperm.xlane v23, v6  }
0x92: {  	v19 =	vld [tilespmem:s31+$0x1C00]  }
0x93: {  	v16 =	vadd.f32 v17, v16;
	v17 =	vmul.f32 v20, v18;
	v18 =	vperm.xlane v23, v7  }
0x94: {  	v20 =	vld [tilespmem:s31+$0x1C80]  }
0x95: {  	v16 =	vadd.f32 v17, v16;
	v17 =	vmul.f32 v21, v18;
	v18 =	vperm.xlane v23, v8  }
0x96: {  	v21 =	vld [tilespmem:s31+$0x1D00]  }
0x97: {  	v16 =	vadd.f32 v17, v16;
	v17 =	vmul.f32 v19, v18;
	v18 =	vperm.xlane v23, v9  }
0x98: {  	v19 =	vld [tilespmem:s31+$0x1D80]  }
0x99: {  	v16 =	vadd.f32 v17, v16;
	v17 =	vmul.f32 v20, v18;
	v18 =	vperm.xlane v23, v10  }
0x9a: {  	v20 =	vld [tilespmem:s31+$0x1E00]  }
0x9b: {  	v16 =	vadd.f32 v17, v16;
	v17 =	vmul.f32 v21, v18;
	v18 =	vperm.xlane v23, v11  }
0x9c: {  	v21 =	vld [tilespmem:s31+$0x1E80]  }
0x9d: {  	v16 =	vadd.f32 v17, v16;
	v17 =	vmul.f32 v19, v18;
	v18 =	vperm.xlane v23, v12  }
0x9e: {  	v19 =	vld [tilespmem:s31+$0x1F00]  }
0x9f: {  	v16 =	vadd.f32 v17, v16;
	v17 =	vmul.f32 v20, v18;
	v18 =	vperm.xlane v23, v13  }
0xa0: {  	v20 =	vld [tilespmem:s31+$0x1F80]  }
0xa1: {  	v16 =	vadd.f32 v17, v16;
	v17 =	vmul.f32 v21, v18;
	v18 =	vperm.xlane v23, v14;
	_ =	sdelay $0x1  }
0xa2: {  	v16 =	vadd.f32 v17, v16;
	v17 =	vmul.f32 v19, v18;
	v18 =	vperm.xlane v23, v15;
	_ =	sdelay $0x1  }
0xa3: {  	v16 =	vadd.f32 v17, v16;
	v17 =	vmul.f32 v20, v18  }
.Ltmp0:
0xa4: {  	(pc) =	sbr.rel @p1 .LBB2_3-.Ltmp0, $3  }
0xa5: {  	v16 =	vadd.f32 v17, v16;
	_ =	sdelay $0x1  }
0xa6: {  	[tilespmem:s31+$0x4100] =	vst v16  }
0xa7: {  	s30 =	sadd.s32 $0x40, s30;
	v16 =	vld [tilespmem:$0x4000]  }
0xa8: {  	s0 =	sshra.s32 s29, $0x2  }
0xa9: {  	v17 =	vld [tilespmem:s0+$0x0];
	_ =	sdelay $0x1  }
0xaa: {  	v18 =	vld [tilespmem:s0+$0x80]  }
0xab: {  	v19 =	vperm.xlane v16, v0  }
0xac: {  	v20 =	vld [tilespmem:s0+$0x100]  }
0xad: {  	v17 =	vmul.f32 v17, v19;
	v19 =	vperm.xlane v16, v1  }
0xae: {  	v21 =	vld [tilespmem:s0+$0x180]  }
0xaf: {  	v17 =	vadd.f32 $0.0e+00, v17;
	v18 =	vmul.f32 v18, v19;
	v19 =	vperm.xlane v16, v2  }
0xb0: {  	v22 =	vld [tilespmem:s0+$0x200]  }
0xb1: {  	v17 =	vadd.f32 v18, v17;
	v18 =	vmul.f32 v20, v19;
	v19 =	vperm.xlane v16, v3  }
0xb2: {  	v59 =	vld [tilespmem:s0+$0x280]  }
0xb3: {  	v17 =	vadd.f32 v18, v17;
	v18 =	vmul.f32 v21, v19;
	v19 =	vperm.xlane v16, v4  }
0xb4: {  	v60 =	vld [tilespmem:s0+$0x300]  }
0xb5: {  	v17 =	vadd.f32 v18, v17;
	v18 =	vmul.f32 v22, v19;
	v19 =	vperm.xlane v16, v5  }
0xb6: {  	v61 =	vld [tilespmem:s0+$0x380]  }
0xb7: {  	v17 =	vadd.f32 v18, v17;
	v18 =	vmul.f32 v59, v19;
	v19 =	vperm.xlane v16, v6  }
0xb8: {  	v62 =	vld [tilespmem:s0+$0x400]  }
0xb9: {  	v17 =	vadd.f32 v18, v17;
	v18 =	vmul.f32 v60, v19;
	v19 =	vperm.xlane v16, v7  }
0xba: {  	v63 =	vld [tilespmem:s0+$0x480]  }
0xbb: {  	v17 =	vadd.f32 v18, v17;
	v18 =	vmul.f32 v61, v19;
	v19 =	vperm.xlane v16, v8  }
0xbc: {  	v24 =	vld [tilespmem:s0+$0x500]  }
0xbd: {  	v17 =	vadd.f32 v18, v17;
	v18 =	vmul.f32 v62, v19;
	v19 =	vperm.xlane v16, v9  }
0xbe: {  	v25 =	vld [tilespmem:s0+$0x580]  }
0xbf: {  	v17 =	vadd.f32 v18, v17;
	v18 =	vmul.f32 v63, v19;
	v19 =	vperm.xlane v16, v10  }
0xc0: {  	v26 =	vld [tilespmem:s0+$0x600]  }
0xc1: {  	v17 =	vadd.f32 v18, v17;
	v18 =	vmul.f32 v24, v19;
	v19 =	vperm.xlane v16, v11  }
0xc2: {  	v27 =	vld [tilespmem:s0+$0x680]  }
0xc3: {  	v17 =	vadd.f32 v18, v17;
	v18 =	vmul.f32 v25, v19;
	v19 =	vperm.xlane v16, v12  }
0xc4: {  	v28 =	vld [tilespmem:s0+$0x700]  }
0xc5: {  	v23 =	vld [tilespmem:$0x4010];
	v17 =	vadd.f32 v18, v17;
	v18 =	vmul.f32 v26, v19;
	v19 =	vperm.xlane v16, v13  }
0xc6: {  	v29 =	vld [tilespmem:s0+$0x780]  }
0xc7: {  	v17 =	vadd.f32 v18, v17;
	v18 =	vmul.f32 v27, v19;
	v19 =	vperm.xlane v16, v14  }
0xc8: {  	v30 =	vld [tilespmem:s0+$0x800]  }
0xc9: {  	v16 =	vperm.xlane v16, v15;
	v17 =	vadd.f32 v18, v17;
	v18 =	vmul.f32 v28, v19  }
0xca: {  	v19 =	vld [tilespmem:s0+$0x880]  }
0xcb: {  	v16 =	vmul.f32 v29, v16;
	v17 =	vadd.f32 v18, v17;
	v18 =	vperm.xlane v23, v0  }
0xcc: {  	v31 =	vld [tilespmem:s0+$0x900]  }
0xcd: {  	v16 =	vadd.f32 v16, v17;
	v17 =	vmul.f32 v30, v18;
	v18 =	vperm.xlane v23, v1  }
0xce: {  	v32 =	vld [tilespmem:s0+$0x980]  }
0xcf: {  	v16 =	vadd.f32 v17, v16;
	v17 =	vmul.f32 v19, v18;
	v18 =	vperm.xlane v23, v2  }
0xd0: {  	v19 =	vld [tilespmem:s0+$0xA00]  }
0xd1: {  	v16 =	vadd.f32 v17, v16;
	v17 =	vmul.f32 v31, v18;
	v18 =	vperm.xlane v23, v3  }
0xd2: {  	v33 =	vld [tilespmem:s0+$0xA80]  }
0xd3: {  	v16 =	vadd.f32 v17, v16;
	v17 =	vmul.f32 v32, v18;
	v18 =	vperm.xlane v23, v4  }
0xd4: {  	v34 =	vld [tilespmem:s0+$0xB00]  }
0xd5: {  	v16 =	vadd.f32 v17, v16;
	v17 =	vmul.f32 v19, v18;
	v18 =	vperm.xlane v23, v5  }
0xd6: {  	v19 =	vld [tilespmem:s0+$0xB80]  }
0xd7: {  	v16 =	vadd.f32 v17, v16;
	v17 =	vmul.f32 v33, v18;
	v18 =	vperm.xlane v23, v6  }
0xd8: {  	v35 =	vld [tilespmem:s0+$0xC00]  }
0xd9: {  	v16 =	vadd.f32 v17, v16;
	v17 =	vmul.f32 v34, v18;
	v18 =	vperm.xlane v23, v7  }
0xda: {  	v36 =	vld [tilespmem:s0+$0xC80]  }
0xdb: {  	v16 =	vadd.f32 v17, v16;
	v17 =	vmul.f32 v19, v18;
	v18 =	vperm.xlane v23, v8  }
0xdc: {  	v19 =	vld [tilespmem:s0+$0xD00]  }
0xdd: {  	v16 =	vadd.f32 v17, v16;
	v17 =	vmul.f32 v35, v18;
	v18 =	vperm.xlane v23, v9  }
0xde: {  	v37 =	vld [tilespmem:s0+$0xD80]  }
0xdf: {  	v16 =	vadd.f32 v17, v16;
	v17 =	vmul.f32 v36, v18;
	v18 =	vperm.xlane v23, v10  }
0xe0: {  	v38 =	vld [tilespmem:s0+$0xE00]  }
0xe1: {  	v16 =	vadd.f32 v17, v16;
	v17 =	vmul.f32 v19, v18;
	v18 =	vperm.xlane v23, v11  }
0xe2: {  	v19 =	vld [tilespmem:s0+$0xE80]  }
0xe3: {  	v16 =	vadd.f32 v17, v16;
	v17 =	vmul.f32 v37, v18;
	v18 =	vperm.xlane v23, v12  }
0xe4: {  	v39 =	vld [tilespmem:s0+$0xF00]  }
0xe5: {  	v41 =	vld [tilespmem:$0x4020];
	v16 =	vadd.f32 v17, v16;
	v17 =	vmul.f32 v38, v18;
	v18 =	vperm.xlane v23, v13  }
0xe6: {  	v40 =	vld [tilespmem:s0+$0xF80]  }
0xe7: {  	v16 =	vadd.f32 v17, v16;
	v17 =	vmul.f32 v19, v18;
	v18 =	vperm.xlane v23, v14  }
0xe8: {  	v19 =	vld [tilespmem:s0+$0x1000]  }
0xe9: {  	v16 =	vadd.f32 v17, v16;
	v17 =	vmul.f32 v39, v18;
	v18 =	vperm.xlane v23, v15  }
0xea: {  	v42 =	vld [tilespmem:s0+$0x1080]  }
0xeb: {  	v16 =	vadd.f32 v17, v16;
	v17 =	vmul.f32 v40, v18;
	v18 =	vperm.xlane v41, v0  }
0xec: {  	v43 =	vld [tilespmem:s0+$0x1100]  }
0xed: {  	v16 =	vadd.f32 v17, v16;
	v17 =	vmul.f32 v19, v18;
	v18 =	vperm.xlane v41, v1  }
0xee: {  	v19 =	vld [tilespmem:s0+$0x1180]  }
0xef: {  	v16 =	vadd.f32 v17, v16;
	v17 =	vmul.f32 v42, v18;
	v18 =	vperm.xlane v41, v2  }
0xf0: {  	v44 =	vld [tilespmem:s0+$0x1200]  }
0xf1: {  	v16 =	vadd.f32 v17, v16;
	v17 =	vmul.f32 v43, v18;
	v18 =	vperm.xlane v41, v3  }
0xf2: {  	v45 =	vld [tilespmem:s0+$0x1280]  }
0xf3: {  	v16 =	vadd.f32 v17, v16;
	v17 =	vmul.f32 v19, v18;
	v18 =	vperm.xlane v41, v4  }
0xf4: {  	v19 =	vld [tilespmem:s0+$0x1300]  }
0xf5: {  	v16 =	vadd.f32 v17, v16;
	v17 =	vmul.f32 v44, v18;
	v18 =	vperm.xlane v41, v5  }
0xf6: {  	v46 =	vld [tilespmem:s0+$0x1380]  }
0xf7: {  	v16 =	vadd.f32 v17, v16;
	v17 =	vmul.f32 v45, v18;
	v18 =	vperm.xlane v41, v6  }
0xf8: {  	v47 =	vld [tilespmem:s0+$0x1400]  }
0xf9: {  	v16 =	vadd.f32 v17, v16;
	v17 =	vmul.f32 v19, v18;
	v18 =	vperm.xlane v41, v7  }
0xfa: {  	v19 =	vld [tilespmem:s0+$0x1480]  }
0xfb: {  	v16 =	vadd.f32 v17, v16;
	v17 =	vmul.f32 v46, v18;
	v18 =	vperm.xlane v41, v8  }
0xfc: {  	v48 =	vld [tilespmem:s0+$0x1500]  }
0xfd: {  	v16 =	vadd.f32 v17, v16;
	v17 =	vmul.f32 v47, v18;
	v18 =	vperm.xlane v41, v9  }
0xfe: {  	v49 =	vld [tilespmem:s0+$0x1580]  }
0xff: {  	v16 =	vadd.f32 v17, v16;
	v17 =	vmul.f32 v19, v18;
	v18 =	vperm.xlane v41, v10  }
0x100: {  	v19 =	vld [tilespmem:s0+$0x1600]  }
0x101: {  	v16 =	vadd.f32 v17, v16;
	v17 =	vmul.f32 v48, v18;
	v18 =	vperm.xlane v41, v11  }
0x102: {  	v50 =	vld [tilespmem:s0+$0x1680]  }
0x103: {  	v16 =	vadd.f32 v17, v16;
	v17 =	vmul.f32 v49, v18;
	v18 =	vperm.xlane v41, v12  }
0x104: {  	v51 =	vld [tilespmem:s0+$0x1700]  }
0x105: {  	v52 =	vld [tilespmem:$0x4030];
	v16 =	vadd.f32 v17, v16;
	v17 =	vmul.f32 v19, v18;
	v18 =	vperm.xlane v41, v13  }
0x106: {  	v19 =	vld [tilespmem:s0+$0x1780]  }
0x107: {  	v16 =	vadd.f32 v17, v16;
	v17 =	vmul.f32 v50, v18;
	v18 =	vperm.xlane v41, v14  }
0x108: {  	v53 =	vld [tilespmem:s0+$0x1800]  }
0x109: {  	v16 =	vadd.f32 v17, v16;
	v17 =	vmul.f32 v51, v18;
	v18 =	vperm.xlane v41, v15  }
0x10a: {  	v54 =	vld [tilespmem:s0+$0x1880]  }
0x10b: {  	v16 =	vadd.f32 v17, v16;
	v17 =	vmul.f32 v19, v18;
	v18 =	vperm.xlane v52, v0  }
0x10c: {  	v19 =	vld [tilespmem:s0+$0x1900]  }
0x10d: {  	v16 =	vadd.f32 v17, v16;
	v17 =	vmul.f32 v53, v18;
	v18 =	vperm.xlane v52, v1  }
0x10e: {  	v55 =	vld [tilespmem:s0+$0x1980]  }
0x10f: {  	v16 =	vadd.f32 v17, v16;
	v17 =	vmul.f32 v54, v18;
	v18 =	vperm.xlane v52, v2  }
0x110: {  	v56 =	vld [tilespmem:s0+$0x1A00]  }
0x111: {  	v16 =	vadd.f32 v17, v16;
	v17 =	vmul.f32 v19, v18;
	v18 =	vperm.xlane v52, v3  }
0x112: {  	v19 =	vld [tilespmem:s0+$0x1A80]  }
0x113: {  	v16 =	vadd.f32 v17, v16;
	v17 =	vmul.f32 v55, v18;
	v18 =	vperm.xlane v52, v4  }
0x114: {  	v57 =	vld [tilespmem:s0+$0x1B00]  }
0x115: {  	v16 =	vadd.f32 v17, v16;
	v17 =	vmul.f32 v56, v18;
	v18 =	vperm.xlane v52, v5  }
0x116: {  	v58 =	vld [tilespmem:s0+$0x1B80]  }
0x117: {  	v16 =	vadd.f32 v17, v16;
	v17 =	vmul.f32 v19, v18;
	v18 =	vperm.xlane v52, v6  }
0x118: {  	v19 =	vld [tilespmem:s0+$0x1C00]  }
0x119: {  	v16 =	vadd.f32 v17, v16;
	v17 =	vmul.f32 v57, v18;
	v18 =	vperm.xlane v52, v7  }
0x11a: {  	v59 =	vld [tilespmem:s0+$0x1C80]  }
0x11b: {  	v16 =	vadd.f32 v17, v16;
	v17 =	vmul.f32 v58, v18;
	v18 =	vperm.xlane v52, v8  }
0x11c: {  	v60 =	vld [tilespmem:s0+$0x1D00]  }
0x11d: {  	v16 =	vadd.f32 v17, v16;
	v17 =	vmul.f32 v19, v18;
	v18 =	vperm.xlane v52, v9  }
0x11e: {  	v19 =	vld [tilespmem:s0+$0x1D80]  }
0x11f: {  	v16 =	vadd.f32 v17, v16;
	v17 =	vmul.f32 v59, v18;
	v18 =	vperm.xlane v52, v10  }
0x120: {  	v61 =	vld [tilespmem:s0+$0x1E00]  }
0x121: {  	v16 =	vadd.f32 v17, v16;
	v17 =	vmul.f32 v60, v18;
	v18 =	vperm.xlane v52, v11  }
0x122: {  	v62 =	vld [tilespmem:s0+$0x1E80]  }
0x123: {  	v16 =	vadd.f32 v17, v16;
	v17 =	vmul.f32 v19, v18;
	v18 =	vperm.xlane v52, v12  }
0x124: {  	v19 =	vld [tilespmem:s0+$0x1F00]  }
0x125: {  	v16 =	vadd.f32 v17, v16;
	v17 =	vmul.f32 v61, v18;
	v18 =	vperm.xlane v52, v13  }
0x126: {  	v63 =	vld [tilespmem:s0+$0x1F80]  }
0x127: {  	v16 =	vadd.f32 v17, v16;
	v17 =	vmul.f32 v62, v18;
	v18 =	vperm.xlane v52, v14;
	_ =	sdelay $0x1  }
0x128: {  	v16 =	vadd.f32 v17, v16;
	v17 =	vmul.f32 v19, v18;
	v18 =	vperm.xlane v52, v15;
	_ =	sdelay $0x1  }
0x129: {  	s29 =	sadd.s32 $0x2, s26;
	v16 =	vadd.f32 v17, v16;
	v17 =	vmul.f32 v63, v18  }
0x12a: {  	s30 =	sand.u32 $0x1E, s29  }
0x12b: {  	s30 =	sor.u32 s4, s30;
	v16 =	vadd.f32 v17, v16  }
0x12c: {  	s31 =	sshll.u32 s30, $0xD  }
0x12d: {  	[tilespmem:s0+$0x4100] =	vst v16;
	s0 =	sadd.s32 s31, s6  }
0x12e: {  	[tilespmem:s3], [sflag:$0x1] =	stream.strided.gather [hbm4b:s0+s12], $0x2000, s13, s12, $0x38;
	[tilespmem:$0x4200] =	vst v63  }
0x12f: {  	s0 =	sshll.u32 s29, $0x4  }
0x130: {  	s29 =	sshll.u32 s30, $0x4;
	s0 =	sand.u32 $0x60, s0  }
0x131: {  	s30 =	sshll.u32 s25, $0x5;
	s29 =	sand.u32 $0x3F80, s29;
	s0 =	sadd.s32 s1, s0  }
0x132: {  	s31 =	sshll.u32 s28, $0x4;
	s28 =	sand.u32 $0x60, s30;
	s0 =	sadd.s32 s29, s0  }
0x133: {  	[tilespmem:s14], [sflag:$0x3] =	stream.linear.gather [hbm4b:s0+s3], $0x80, $0x38;
	[tilespmem:$0x4200] =	vst v63  }
0x134: {  	s29 =	sand.u32 $0x3F80, s31;
	s0 =	sadd.s32 s5, s28  }
0x135: {  	s0 =	sadd.s32 s29, s0  }
0x136: {  	[hbm4b:s0+s3] =	stream.linear.scatter [tilespmem:s18], [sflag:$0x5], $0x80, $0x38;
	[tilespmem:$0x4200] =	vst v63  }
0x137: {  	s0 =	simm.s32 @!p0 $0x6  }
0x138: {  	_ =	swait.ge @!p0 [sflag:s0], $0x80  }
0x139: {  	[sflag:s0] =	ssyncset.done @!p0 $0x0  }
0x13a: {  	[sflag:s0] =	ssyncadd.s32 @!p0 $0xFFFFFF80  }
0x13b: {  	_ =	swait.ge [sflag:s19], $0x2000  }
0x13c: {  	[sflag:s19] =	ssyncset.done $0x0  }
0x13d: {  	[sflag:s19] =	ssyncadd.s32 $0xFFFFE000  }
0x13e: {  	_ =	swait.ge [sflag:s20], $0x80  }
0x13f: {  	[sflag:s20] =	ssyncset.done $0x0  }
0x140: {  	[sflag:s20] =	ssyncadd.s32 $0xFFFFFF80  }
0x141: {  	s30 =	simm.s32 $0x0;
	s31 =	simm.s32 $0x40;
	v16 =	vld [tilespmem:$0x4080]  }
.LBB2_5:
0x142: {  	p0 =	sne.s32 s31, $0x1C0;
	s0 =	sshra.s32 s30, $0x2;
	s30 =	smov.u32 s31  }
0x143: {  	v17 =	vld [tilespmem:s0+$0x2000];
	_ =	sdelay $0x1  }
0x144: {  	v18 =	vld [tilespmem:s0+$0x2080]  }
0x145: {  	v19 =	vperm.xlane v16, v0  }
0x146: {  	v20 =	vld [tilespmem:s0+$0x2100]  }
0x147: {  	v17 =	vmul.f32 v17, v19;
	v19 =	vperm.xlane v16, v1  }
0x148: {  	v21 =	vld [tilespmem:s0+$0x2180]  }
0x149: {  	v17 =	vadd.f32 $0.0e+00, v17;
	v18 =	vmul.f32 v18, v19;
	v19 =	vperm.xlane v16, v2  }
0x14a: {  	v22 =	vld [tilespmem:s0+$0x2200]  }
0x14b: {  	v17 =	vadd.f32 v18, v17;
	v18 =	vmul.f32 v20, v19;
	v19 =	vperm.xlane v16, v3  }
0x14c: {  	v20 =	vld [tilespmem:s0+$0x2280]  }
0x14d: {  	v17 =	vadd.f32 v18, v17;
	v18 =	vmul.f32 v21, v19;
	v19 =	vperm.xlane v16, v4  }
0x14e: {  	v21 =	vld [tilespmem:s0+$0x2300]  }
0x14f: {  	v17 =	vadd.f32 v18, v17;
	v18 =	vmul.f32 v22, v19;
	v19 =	vperm.xlane v16, v5  }
0x150: {  	v22 =	vld [tilespmem:s0+$0x2380]  }
0x151: {  	v17 =	vadd.f32 v18, v17;
	v18 =	vmul.f32 v20, v19;
	v19 =	vperm.xlane v16, v6  }
0x152: {  	v20 =	vld [tilespmem:s0+$0x2400]  }
0x153: {  	v17 =	vadd.f32 v18, v17;
	v18 =	vmul.f32 v21, v19;
	v19 =	vperm.xlane v16, v7  }
0x154: {  	v21 =	vld [tilespmem:s0+$0x2480]  }
0x155: {  	v17 =	vadd.f32 v18, v17;
	v18 =	vmul.f32 v22, v19;
	v19 =	vperm.xlane v16, v8  }
0x156: {  	v22 =	vld [tilespmem:s0+$0x2500]  }
0x157: {  	v17 =	vadd.f32 v18, v17;
	v18 =	vmul.f32 v20, v19;
	v19 =	vperm.xlane v16, v9  }
0x158: {  	v20 =	vld [tilespmem:s0+$0x2580]  }
0x159: {  	v17 =	vadd.f32 v18, v17;
	v18 =	vmul.f32 v21, v19;
	v19 =	vperm.xlane v16, v10  }
0x15a: {  	v21 =	vld [tilespmem:s0+$0x2600]  }
0x15b: {  	v17 =	vadd.f32 v18, v17;
	v18 =	vmul.f32 v22, v19;
	v19 =	vperm.xlane v16, v11  }
0x15c: {  	v22 =	vld [tilespmem:s0+$0x2680]  }
0x15d: {  	v17 =	vadd.f32 v18, v17;
	v18 =	vmul.f32 v20, v19;
	v19 =	vperm.xlane v16, v12  }
0x15e: {  	v20 =	vld [tilespmem:s0+$0x2700]  }
0x15f: {  	v17 =	vadd.f32 v18, v17;
	v18 =	vmul.f32 v21, v19;
	v19 =	vperm.xlane v16, v13;
	v21 =	vld [tilespmem:s0+$0x2780]  }
0x160: {  	v23 =	vld [tilespmem:$0x4090]  }
0x161: {  	v17 =	vadd.f32 v18, v17;
	v18 =	vmul.f32 v22, v19;
	v19 =	vperm.xlane v16, v14  }
0x162: {  	v22 =	vld [tilespmem:s0+$0x2800]  }
0x163: {  	v16 =	vperm.xlane v16, v15;
	v17 =	vadd.f32 v18, v17;
	v18 =	vmul.f32 v20, v19  }
0x164: {  	v19 =	vld [tilespmem:s0+$0x2880]  }
0x165: {  	v16 =	vmul.f32 v21, v16;
	v17 =	vadd.f32 v18, v17;
	v18 =	vperm.xlane v23, v0  }
0x166: {  	v20 =	vld [tilespmem:s0+$0x2900]  }
0x167: {  	v16 =	vadd.f32 v16, v17;
	v17 =	vmul.f32 v22, v18;
	v18 =	vperm.xlane v23, v1  }
0x168: {  	v21 =	vld [tilespmem:s0+$0x2980]  }
0x169: {  	v16 =	vadd.f32 v17, v16;
	v17 =	vmul.f32 v19, v18;
	v18 =	vperm.xlane v23, v2  }
0x16a: {  	v19 =	vld [tilespmem:s0+$0x2A00]  }
0x16b: {  	v16 =	vadd.f32 v17, v16;
	v17 =	vmul.f32 v20, v18;
	v18 =	vperm.xlane v23, v3  }
0x16c: {  	v20 =	vld [tilespmem:s0+$0x2A80]  }
0x16d: {  	v16 =	vadd.f32 v17, v16;
	v17 =	vmul.f32 v21, v18;
	v18 =	vperm.xlane v23, v4  }
0x16e: {  	v21 =	vld [tilespmem:s0+$0x2B00]  }
0x16f: {  	v16 =	vadd.f32 v17, v16;
	v17 =	vmul.f32 v19, v18;
	v18 =	vperm.xlane v23, v5  }
0x170: {  	v19 =	vld [tilespmem:s0+$0x2B80]  }
0x171: {  	v16 =	vadd.f32 v17, v16;
	v17 =	vmul.f32 v20, v18;
	v18 =	vperm.xlane v23, v6  }
0x172: {  	v20 =	vld [tilespmem:s0+$0x2C00]  }
0x173: {  	v16 =	vadd.f32 v17, v16;
	v17 =	vmul.f32 v21, v18;
	v18 =	vperm.xlane v23, v7  }
0x174: {  	v21 =	vld [tilespmem:s0+$0x2C80]  }
0x175: {  	v16 =	vadd.f32 v17, v16;
	v17 =	vmul.f32 v19, v18;
	v18 =	vperm.xlane v23, v8  }
0x176: {  	v19 =	vld [tilespmem:s0+$0x2D00]  }
0x177: {  	v16 =	vadd.f32 v17, v16;
	v17 =	vmul.f32 v20, v18;
	v18 =	vperm.xlane v23, v9  }
0x178: {  	v20 =	vld [tilespmem:s0+$0x2D80]  }
0x179: {  	v16 =	vadd.f32 v17, v16;
	v17 =	vmul.f32 v21, v18;
	v18 =	vperm.xlane v23, v10  }
0x17a: {  	v21 =	vld [tilespmem:s0+$0x2E00]  }
0x17b: {  	v16 =	vadd.f32 v17, v16;
	v17 =	vmul.f32 v19, v18;
	v18 =	vperm.xlane v23, v11  }
0x17c: {  	v19 =	vld [tilespmem:s0+$0x2E80]  }
0x17d: {  	v16 =	vadd.f32 v17, v16;
	v17 =	vmul.f32 v20, v18;
	v18 =	vperm.xlane v23, v12  }
0x17e: {  	v20 =	vld [tilespmem:s0+$0x2F00]  }
0x17f: {  	v16 =	vadd.f32 v17, v16;
	v17 =	vmul.f32 v21, v18;
	v18 =	vperm.xlane v23, v13;
	v21 =	vld [tilespmem:s0+$0x2F80]  }
0x180: {  	v22 =	vld [tilespmem:$0x40A0]  }
0x181: {  	v16 =	vadd.f32 v17, v16;
	v17 =	vmul.f32 v19, v18;
	v18 =	vperm.xlane v23, v14  }
0x182: {  	v19 =	vld [tilespmem:s0+$0x3000]  }
0x183: {  	v16 =	vadd.f32 v17, v16;
	v17 =	vmul.f32 v20, v18;
	v18 =	vperm.xlane v23, v15  }
0x184: {  	v20 =	vld [tilespmem:s0+$0x3080]  }
0x185: {  	v16 =	vadd.f32 v17, v16;
	v17 =	vmul.f32 v21, v18;
	v18 =	vperm.xlane v22, v0  }
0x186: {  	v21 =	vld [tilespmem:s0+$0x3100]  }
0x187: {  	v16 =	vadd.f32 v17, v16;
	v17 =	vmul.f32 v19, v18;
	v18 =	vperm.xlane v22, v1  }
0x188: {  	v19 =	vld [tilespmem:s0+$0x3180]  }
0x189: {  	v16 =	vadd.f32 v17, v16;
	v17 =	vmul.f32 v20, v18;
	v18 =	vperm.xlane v22, v2  }
0x18a: {  	v20 =	vld [tilespmem:s0+$0x3200]  }
0x18b: {  	v16 =	vadd.f32 v17, v16;
	v17 =	vmul.f32 v21, v18;
	v18 =	vperm.xlane v22, v3  }
0x18c: {  	v21 =	vld [tilespmem:s0+$0x3280]  }
0x18d: {  	v16 =	vadd.f32 v17, v16;
	v17 =	vmul.f32 v19, v18;
	v18 =	vperm.xlane v22, v4  }
0x18e: {  	v19 =	vld [tilespmem:s0+$0x3300]  }
0x18f: {  	v16 =	vadd.f32 v17, v16;
	v17 =	vmul.f32 v20, v18;
	v18 =	vperm.xlane v22, v5  }
0x190: {  	v20 =	vld [tilespmem:s0+$0x3380]  }
0x191: {  	v16 =	vadd.f32 v17, v16;
	v17 =	vmul.f32 v21, v18;
	v18 =	vperm.xlane v22, v6  }
0x192: {  	v21 =	vld [tilespmem:s0+$0x3400]  }
0x193: {  	v16 =	vadd.f32 v17, v16;
	v17 =	vmul.f32 v19, v18;
	v18 =	vperm.xlane v22, v7  }
0x194: {  	v19 =	vld [tilespmem:s0+$0x3480]  }
0x195: {  	v16 =	vadd.f32 v17, v16;
	v17 =	vmul.f32 v20, v18;
	v18 =	vperm.xlane v22, v8  }
0x196: {  	v20 =	vld [tilespmem:s0+$0x3500]  }
0x197: {  	v16 =	vadd.f32 v17, v16;
	v17 =	vmul.f32 v21, v18;
	v18 =	vperm.xlane v22, v9  }
0x198: {  	v21 =	vld [tilespmem:s0+$0x3580]  }
0x199: {  	v16 =	vadd.f32 v17, v16;
	v17 =	vmul.f32 v19, v18;
	v18 =	vperm.xlane v22, v10  }
0x19a: {  	v19 =	vld [tilespmem:s0+$0x3600]  }
0x19b: {  	v16 =	vadd.f32 v17, v16;
	v17 =	vmul.f32 v20, v18;
	v18 =	vperm.xlane v22, v11  }
0x19c: {  	v20 =	vld [tilespmem:s0+$0x3680]  }
0x19d: {  	v16 =	vadd.f32 v17, v16;
	v17 =	vmul.f32 v21, v18;
	v18 =	vperm.xlane v22, v12  }
0x19e: {  	v21 =	vld [tilespmem:s0+$0x3700]  }
0x19f: {  	v16 =	vadd.f32 v17, v16;
	v17 =	vmul.f32 v19, v18;
	v18 =	vperm.xlane v22, v13;
	v19 =	vld [tilespmem:s0+$0x3780]  }
0x1a0: {  	v23 =	vld [tilespmem:$0x40B0]  }
0x1a1: {  	v16 =	vadd.f32 v17, v16;
	v17 =	vmul.f32 v20, v18;
	v18 =	vperm.xlane v22, v14  }
0x1a2: {  	v20 =	vld [tilespmem:s0+$0x3800]  }
0x1a3: {  	v16 =	vadd.f32 v17, v16;
	v17 =	vmul.f32 v21, v18;
	v18 =	vperm.xlane v22, v15  }
0x1a4: {  	v21 =	vld [tilespmem:s0+$0x3880]  }
0x1a5: {  	v16 =	vadd.f32 v17, v16;
	v17 =	vmul.f32 v19, v18;
	v18 =	vperm.xlane v23, v0  }
0x1a6: {  	v19 =	vld [tilespmem:s0+$0x3900]  }
0x1a7: {  	v16 =	vadd.f32 v17, v16;
	v17 =	vmul.f32 v20, v18;
	v18 =	vperm.xlane v23, v1  }
0x1a8: {  	v20 =	vld [tilespmem:s0+$0x3980]  }
0x1a9: {  	v16 =	vadd.f32 v17, v16;
	v17 =	vmul.f32 v21, v18;
	v18 =	vperm.xlane v23, v2  }
0x1aa: {  	v21 =	vld [tilespmem:s0+$0x3A00]  }
0x1ab: {  	v16 =	vadd.f32 v17, v16;
	v17 =	vmul.f32 v19, v18;
	v18 =	vperm.xlane v23, v3  }
0x1ac: {  	v19 =	vld [tilespmem:s0+$0x3A80]  }
0x1ad: {  	v16 =	vadd.f32 v17, v16;
	v17 =	vmul.f32 v20, v18;
	v18 =	vperm.xlane v23, v4  }
0x1ae: {  	v20 =	vld [tilespmem:s0+$0x3B00]  }
0x1af: {  	v16 =	vadd.f32 v17, v16;
	v17 =	vmul.f32 v21, v18;
	v18 =	vperm.xlane v23, v5  }
0x1b0: {  	v21 =	vld [tilespmem:s0+$0x3B80]  }
0x1b1: {  	v16 =	vadd.f32 v17, v16;
	v17 =	vmul.f32 v19, v18;
	v18 =	vperm.xlane v23, v6  }
0x1b2: {  	v19 =	vld [tilespmem:s0+$0x3C00]  }
0x1b3: {  	v16 =	vadd.f32 v17, v16;
	v17 =	vmul.f32 v20, v18;
	v18 =	vperm.xlane v23, v7  }
0x1b4: {  	v20 =	vld [tilespmem:s0+$0x3C80]  }
0x1b5: {  	v16 =	vadd.f32 v17, v16;
	v17 =	vmul.f32 v21, v18;
	v18 =	vperm.xlane v23, v8  }
0x1b6: {  	v21 =	vld [tilespmem:s0+$0x3D00]  }
0x1b7: {  	v16 =	vadd.f32 v17, v16;
	v17 =	vmul.f32 v19, v18;
	v18 =	vperm.xlane v23, v9  }
0x1b8: {  	v19 =	vld [tilespmem:s0+$0x3D80]  }
0x1b9: {  	v16 =	vadd.f32 v17, v16;
	v17 =	vmul.f32 v20, v18;
	v18 =	vperm.xlane v23, v10  }
0x1ba: {  	v20 =	vld [tilespmem:s0+$0x3E00]  }
0x1bb: {  	v16 =	vadd.f32 v17, v16;
	v17 =	vmul.f32 v21, v18;
	v18 =	vperm.xlane v23, v11  }
0x1bc: {  	v21 =	vld [tilespmem:s0+$0x3E80]  }
0x1bd: {  	v16 =	vadd.f32 v17, v16;
	v17 =	vmul.f32 v19, v18;
	v18 =	vperm.xlane v23, v12  }
0x1be: {  	v19 =	vld [tilespmem:s0+$0x3F00]  }
0x1bf: {  	v16 =	vadd.f32 v17, v16;
	v17 =	vmul.f32 v20, v18;
	v18 =	vperm.xlane v23, v13  }
0x1c0: {  	v20 =	vld [tilespmem:s0+$0x3F80]  }
0x1c1: {  	v16 =	vadd.f32 v17, v16;
	v17 =	vmul.f32 v21, v18;
	v18 =	vperm.xlane v23, v14;
	_ =	sdelay $0x1  }
0x1c2: {  	v16 =	vadd.f32 v17, v16;
	v17 =	vmul.f32 v19, v18;
	v18 =	vperm.xlane v23, v15;
	_ =	sdelay $0x1  }
0x1c3: {  	v16 =	vadd.f32 v17, v16;
	v17 =	vmul.f32 v20, v18  }
.Ltmp1:
0x1c4: {  	(pc) =	sbr.rel @p0 .LBB2_5-.Ltmp1, $3  }
0x1c5: {  	v16 =	vadd.f32 v17, v16;
	_ =	sdelay $0x1  }
0x1c6: {  	[tilespmem:s0+$0x4180] =	vst v16  }
0x1c7: {  	s31 =	sadd.s32 $0x40, s31;
	v16 =	vld [tilespmem:$0x4080]  }
0x1c8: {  	s0 =	sshra.s32 s30, $0x2  }
0x1c9: {  	v17 =	vld [tilespmem:s0+$0x2000];
	_ =	sdelay $0x1  }
0x1ca: {  	v18 =	vld [tilespmem:s0+$0x2080]  }
0x1cb: {  	v19 =	vperm.xlane v16, v0  }
0x1cc: {  	v20 =	vld [tilespmem:s0+$0x2100]  }
0x1cd: {  	v48 =	vperm.xlane v16, v1;
	v17 =	vmul.f32 v17, v19  }
0x1ce: {  	v21 =	vld [tilespmem:s0+$0x2180]  }
0x1cf: {  	v49 =	vperm.xlane v16, v2;
	v18 =	vmul.f32 v18, v48;
	v17 =	vadd.f32 $0.0e+00, v17  }
0x1d0: {  	v22 =	vld [tilespmem:s0+$0x2200]  }
0x1d1: {  	v51 =	vperm.xlane v16, v3;
	v50 =	vmul.f32 v20, v49;
	v17 =	vadd.f32 v18, v17  }
0x1d2: {  	v52 =	vld [tilespmem:s0+$0x2280]  }
0x1d3: {  	v54 =	vperm.xlane v16, v4;
	v53 =	vmul.f32 v21, v51;
	v17 =	vadd.f32 v50, v17  }
0x1d4: {  	v55 =	vld [tilespmem:s0+$0x2300]  }
0x1d5: {  	v57 =	vperm.xlane v16, v5;
	v56 =	vmul.f32 v22, v54;
	v17 =	vadd.f32 v53, v17  }
0x1d6: {  	v58 =	vld [tilespmem:s0+$0x2380]  }
0x1d7: {  	v60 =	vperm.xlane v16, v6;
	v59 =	vmul.f32 v52, v57;
	v17 =	vadd.f32 v56, v17  }
0x1d8: {  	v61 =	vld [tilespmem:s0+$0x2400]  }
0x1d9: {  	v63 =	vperm.xlane v16, v7;
	v62 =	vmul.f32 v55, v60;
	v17 =	vadd.f32 v59, v17  }
0x1da: {  	v24 =	vld [tilespmem:s0+$0x2480]  }
0x1db: {  	v26 =	vperm.xlane v16, v8;
	v25 =	vmul.f32 v58, v63;
	v17 =	vadd.f32 v62, v17  }
0x1dc: {  	v27 =	vld [tilespmem:s0+$0x2500]  }
0x1dd: {  	v29 =	vperm.xlane v16, v9;
	v28 =	vmul.f32 v61, v26;
	v17 =	vadd.f32 v25, v17  }
0x1de: {  	v30 =	vld [tilespmem:s0+$0x2580]  }
0x1df: {  	v32 =	vperm.xlane v16, v10;
	v31 =	vmul.f32 v24, v29;
	v17 =	vadd.f32 v28, v17  }
0x1e0: {  	v33 =	vld [tilespmem:s0+$0x2600]  }
0x1e1: {  	v35 =	vperm.xlane v16, v11;
	v34 =	vmul.f32 v27, v32;
	v17 =	vadd.f32 v31, v17  }
0x1e2: {  	v36 =	vld [tilespmem:s0+$0x2680]  }
0x1e3: {  	v38 =	vperm.xlane v16, v12;
	v37 =	vmul.f32 v30, v35;
	v17 =	vadd.f32 v34, v17  }
0x1e4: {  	v39 =	vld [tilespmem:s0+$0x2700]  }
0x1e5: {  	v23 =	vld [tilespmem:$0x4090];
	v41 =	vperm.xlane v16, v13;
	v40 =	vmul.f32 v33, v38;
	v17 =	vadd.f32 v37, v17  }
0x1e6: {  	v42 =	vld [tilespmem:s0+$0x2780]  }
0x1e7: {  	v44 =	vperm.xlane v16, v14;
	v43 =	vmul.f32 v36, v41;
	v17 =	vadd.f32 v40, v17  }
0x1e8: {  	v45 =	vld [tilespmem:s0+$0x2800]  }
0x1e9: {  	v16 =	vperm.xlane v16, v15;
	v46 =	vmul.f32 v39, v44;
	v17 =	vadd.f32 v43, v17  }
0x1ea: {  	v47 =	vld [tilespmem:s0+$0x2880]  }
0x1eb: {  	v16 =	vmul.f32 v42, v16;
	v48 =	vperm.xlane v23, v0;
	v17 =	vadd.f32 v46, v17  }
0x1ec: {  	v49 =	vld [tilespmem:s0+$0x2900]  }
0x1ed: {  	v50 =	vperm.xlane v23, v1;
	v16 =	vadd.f32 v16, v17;
	v17 =	vmul.f32 v45, v48  }
0x1ee: {  	v51 =	vld [tilespmem:s0+$0x2980]  }
0x1ef: {  	v52 =	vperm.xlane v23, v2;
	v16 =	vadd.f32 v17, v16;
	v17 =	vmul.f32 v47, v50  }
0x1f0: {  	v53 =	vld [tilespmem:s0+$0x2A00]  }
0x1f1: {  	v54 =	vperm.xlane v23, v3;
	v16 =	vadd.f32 v17, v16;
	v17 =	vmul.f32 v49, v52  }
0x1f2: {  	v55 =	vld [tilespmem:s0+$0x2A80]  }
0x1f3: {  	v56 =	vperm.xlane v23, v4;
	v16 =	vadd.f32 v17, v16;
	v17 =	vmul.f32 v51, v54  }
0x1f4: {  	v57 =	vld [tilespmem:s0+$0x2B00]  }
0x1f5: {  	v58 =	vperm.xlane v23, v5;
	v16 =	vadd.f32 v17, v16;
	v17 =	vmul.f32 v53, v56  }
0x1f6: {  	v59 =	vld [tilespmem:s0+$0x2B80]  }
0x1f7: {  	v60 =	vperm.xlane v23, v6;
	v16 =	vadd.f32 v17, v16;
	v17 =	vmul.f32 v55, v58  }
0x1f8: {  	v61 =	vld [tilespmem:s0+$0x2C00]  }
0x1f9: {  	v62 =	vperm.xlane v23, v7;
	v16 =	vadd.f32 v17, v16;
	v17 =	vmul.f32 v57, v60  }
0x1fa: {  	v63 =	vld [tilespmem:s0+$0x2C80]  }
0x1fb: {  	v24 =	vperm.xlane v23, v8;
	v16 =	vadd.f32 v17, v16;
	v17 =	vmul.f32 v59, v62  }
0x1fc: {  	v25 =	vld [tilespmem:s0+$0x2D00]  }
0x1fd: {  	v26 =	vperm.xlane v23, v9;
	v16 =	vadd.f32 v17, v16;
	v17 =	vmul.f32 v61, v24  }
0x1fe: {  	v27 =	vld [tilespmem:s0+$0x2D80]  }
0x1ff: {  	v28 =	vperm.xlane v23, v10;
	v16 =	vadd.f32 v17, v16;
	v17 =	vmul.f32 v63, v26  }
0x200: {  	v29 =	vld [tilespmem:s0+$0x2E00]  }
0x201: {  	v30 =	vperm.xlane v23, v11;
	v16 =	vadd.f32 v17, v16;
	v17 =	vmul.f32 v25, v28  }
0x202: {  	v31 =	vld [tilespmem:s0+$0x2E80]  }
0x203: {  	v32 =	vperm.xlane v23, v12;
	v16 =	vadd.f32 v17, v16;
	v17 =	vmul.f32 v27, v30  }
0x204: {  	v33 =	vld [tilespmem:s0+$0x2F00]  }
0x205: {  	v35 =	vld [tilespmem:s0+$0x2F80];
	v34 =	vperm.xlane v23, v13;
	v16 =	vadd.f32 v17, v16;
	v17 =	vmul.f32 v29, v32  }
0x206: {  	v36 =	vld [tilespmem:$0x40A0]  }
0x207: {  	v37 =	vperm.xlane v23, v14;
	v16 =	vadd.f32 v17, v16;
	v17 =	vmul.f32 v31, v34  }
0x208: {  	v38 =	vld [tilespmem:s0+$0x3000]  }
0x209: {  	v39 =	vperm.xlane v23, v15;
	v16 =	vadd.f32 v17, v16;
	v17 =	vmul.f32 v33, v37  }
0x20a: {  	v40 =	vld [tilespmem:s0+$0x3080]  }
0x20b: {  	v41 =	vperm.xlane v36, v0;
	v16 =	vadd.f32 v17, v16;
	v17 =	vmul.f32 v35, v39  }
0x20c: {  	v42 =	vld [tilespmem:s0+$0x3100]  }
0x20d: {  	v43 =	vperm.xlane v36, v1;
	v16 =	vadd.f32 v17, v16;
	v17 =	vmul.f32 v38, v41  }
0x20e: {  	v44 =	vld [tilespmem:s0+$0x3180]  }
0x20f: {  	v45 =	vperm.xlane v36, v2;
	v16 =	vadd.f32 v17, v16;
	v17 =	vmul.f32 v40, v43  }
0x210: {  	v46 =	vld [tilespmem:s0+$0x3200]  }
0x211: {  	v47 =	vperm.xlane v36, v3;
	v16 =	vadd.f32 v17, v16;
	v17 =	vmul.f32 v42, v45  }
0x212: {  	v48 =	vld [tilespmem:s0+$0x3280]  }
0x213: {  	v49 =	vperm.xlane v36, v4;
	v16 =	vadd.f32 v17, v16;
	v17 =	vmul.f32 v44, v47  }
0x214: {  	v50 =	vld [tilespmem:s0+$0x3300]  }
0x215: {  	v51 =	vperm.xlane v36, v5;
	v16 =	vadd.f32 v17, v16;
	v17 =	vmul.f32 v46, v49  }
0x216: {  	v52 =	vld [tilespmem:s0+$0x3380]  }
0x217: {  	v53 =	vperm.xlane v36, v6;
	v16 =	vadd.f32 v17, v16;
	v17 =	vmul.f32 v48, v51  }
0x218: {  	v54 =	vld [tilespmem:s0+$0x3400]  }
0x219: {  	v55 =	vperm.xlane v36, v7;
	v16 =	vadd.f32 v17, v16;
	v17 =	vmul.f32 v50, v53  }
0x21a: {  	v56 =	vld [tilespmem:s0+$0x3480]  }
0x21b: {  	v57 =	vperm.xlane v36, v8;
	v16 =	vadd.f32 v17, v16;
	v17 =	vmul.f32 v52, v55  }
0x21c: {  	v58 =	vld [tilespmem:s0+$0x3500]  }
0x21d: {  	v59 =	vperm.xlane v36, v9;
	v16 =	vadd.f32 v17, v16;
	v17 =	vmul.f32 v54, v57  }
0x21e: {  	v60 =	vld [tilespmem:s0+$0x3580]  }
0x21f: {  	v61 =	vperm.xlane v36, v10;
	v16 =	vadd.f32 v17, v16;
	v17 =	vmul.f32 v56, v59  }
0x220: {  	v62 =	vld [tilespmem:s0+$0x3600]  }
0x221: {  	v63 =	vperm.xlane v36, v11;
	v16 =	vadd.f32 v17, v16;
	v17 =	vmul.f32 v58, v61  }
0x222: {  	v24 =	vld [tilespmem:s0+$0x3680]  }
0x223: {  	v25 =	vperm.xlane v36, v12;
	v16 =	vadd.f32 v17, v16;
	v17 =	vmul.f32 v60, v63  }
0x224: {  	v26 =	vld [tilespmem:s0+$0x3700]  }
0x225: {  	v28 =	vld [tilespmem:s0+$0x3780];
	v27 =	vperm.xlane v36, v13;
	v16 =	vadd.f32 v17, v16;
	v17 =	vmul.f32 v62, v25  }
0x226: {  	v29 =	vld [tilespmem:$0x40B0]  }
0x227: {  	v30 =	vperm.xlane v36, v14;
	v16 =	vadd.f32 v17, v16;
	v17 =	vmul.f32 v24, v27  }
0x228: {  	v31 =	vld [tilespmem:s0+$0x3800]  }
0x229: {  	v32 =	vperm.xlane v36, v15;
	v16 =	vadd.f32 v17, v16;
	v17 =	vmul.f32 v26, v30  }
0x22a: {  	v33 =	vld [tilespmem:s0+$0x3880]  }
0x22b: {  	v34 =	vperm.xlane v29, v0;
	v16 =	vadd.f32 v17, v16;
	v17 =	vmul.f32 v28, v32  }
0x22c: {  	v35 =	vld [tilespmem:s0+$0x3900]  }
0x22d: {  	v36 =	vperm.xlane v29, v1;
	v16 =	vadd.f32 v17, v16;
	v17 =	vmul.f32 v31, v34  }
0x22e: {  	v37 =	vld [tilespmem:s0+$0x3980]  }
0x22f: {  	v38 =	vperm.xlane v29, v2;
	v16 =	vadd.f32 v17, v16;
	v17 =	vmul.f32 v33, v36  }
0x230: {  	v39 =	vld [tilespmem:s0+$0x3A00]  }
0x231: {  	v40 =	vperm.xlane v29, v3;
	v16 =	vadd.f32 v17, v16;
	v17 =	vmul.f32 v35, v38  }
0x232: {  	v41 =	vld [tilespmem:s0+$0x3A80]  }
0x233: {  	v42 =	vperm.xlane v29, v4;
	v16 =	vadd.f32 v17, v16;
	v17 =	vmul.f32 v37, v40  }
0x234: {  	v43 =	vld [tilespmem:s0+$0x3B00]  }
0x235: {  	v44 =	vperm.xlane v29, v5;
	v16 =	vadd.f32 v17, v16;
	v17 =	vmul.f32 v39, v42  }
0x236: {  	v45 =	vld [tilespmem:s0+$0x3B80]  }
0x237: {  	v46 =	vperm.xlane v29, v6;
	v16 =	vadd.f32 v17, v16;
	v17 =	vmul.f32 v41, v44  }
0x238: {  	v47 =	vld [tilespmem:s0+$0x3C00]  }
0x239: {  	v48 =	vperm.xlane v29, v7;
	v16 =	vadd.f32 v17, v16;
	v17 =	vmul.f32 v43, v46  }
0x23a: {  	v49 =	vld [tilespmem:s0+$0x3C80]  }
0x23b: {  	v50 =	vperm.xlane v29, v8;
	v16 =	vadd.f32 v17, v16;
	v17 =	vmul.f32 v45, v48  }
0x23c: {  	v51 =	vld [tilespmem:s0+$0x3D00]  }
0x23d: {  	v52 =	vperm.xlane v29, v9;
	v16 =	vadd.f32 v17, v16;
	v17 =	vmul.f32 v47, v50  }
0x23e: {  	v53 =	vld [tilespmem:s0+$0x3D80]  }
0x23f: {  	v54 =	vperm.xlane v29, v10;
	v16 =	vadd.f32 v17, v16;
	v17 =	vmul.f32 v49, v52  }
0x240: {  	v55 =	vld [tilespmem:s0+$0x3E00]  }
0x241: {  	v56 =	vperm.xlane v29, v11;
	v16 =	vadd.f32 v17, v16;
	v17 =	vmul.f32 v51, v54  }
0x242: {  	v57 =	vld [tilespmem:s0+$0x3E80]  }
0x243: {  	v58 =	vperm.xlane v29, v12;
	v16 =	vadd.f32 v17, v16;
	v17 =	vmul.f32 v53, v56  }
0x244: {  	v59 =	vld [tilespmem:s0+$0x3F00]  }
0x245: {  	v60 =	vperm.xlane v29, v13;
	v16 =	vadd.f32 v17, v16;
	v17 =	vmul.f32 v55, v58  }
0x246: {  	v61 =	vld [tilespmem:s0+$0x3F80]  }
0x247: {  	v62 =	vperm.xlane v29, v14;
	v16 =	vadd.f32 v17, v16;
	v17 =	vmul.f32 v57, v60;
	_ =	sdelay $0x1  }
0x248: {  	v63 =	vperm.xlane v29, v15;
	v16 =	vadd.f32 v17, v16;
	v17 =	vmul.f32 v59, v62;
	_ =	sdelay $0x1  }
0x249: {  	s26 =	sadd.s32 $0x3, s26;
	v16 =	vadd.f32 v17, v16;
	v17 =	vmul.f32 v61, v63  }
0x24a: {  	s31 =	sand.u32 $0x1F, s26  }
0x24b: {  	s30 =	sor.u32 s4, s31;
	v16 =	vadd.f32 v17, v16  }
0x24c: {  	s25 =	sadd.s32 $0x1, s25;
	s26 =	sshll.u32 s26, $0x4;
	s31 =	sshll.u32 s30, $0xD  }
0x24d: {  	s30 =	sshll.u32 s30, $0x4;
	s31 =	sadd.s32 s31, s6;
	[tilespmem:s0+$0x4180] =	vst v16;
	s0 =	sand.u32 $0x70, s26  }
0x24e: {  	[tilespmem:s13], [sflag:$0x2] =	stream.strided.gather [hbm4b:s31+s12], $0x2000, s13, s12, $0x38;
	[tilespmem:$0x4200] =	vst v63  }
0x24f: {  	p0 =	sne.s32 s25, $0x10;
	s26 =	sand.u32 $0x3F80, s30;
	s0 =	sadd.s32 s1, s0  }
.Ltmp2:
0x250: {  	s31 =	sadd.s32 s28, s5;
	s0 =	sadd.s32 s26, s0;
	(pc) =	sbr.rel @p0 .LBB2_2-.Ltmp2, $4  }
0x251: {  	[tilespmem:s15], [sflag:$0x4] =	stream.linear.gather [hbm4b:s0+s3], $0x80, $0x38;
	[tilespmem:$0x4200] =	vst v63  }
0x252: {  	s0 =	sadd.s32 s29, s31  }
0x253: {  	s0 =	sadd.s32 $0x10, s0  }
0x254: {  	[hbm4b:s0+s3] =	stream.linear.scatter [tilespmem:s21], [sflag:$0x6], $0x80, $0x38;
	[tilespmem:$0x4200] =	vst v63  }
0x255: {  	s24 =	sadd.s32 $0x1, s24  }
0x256: {  	_ =	swait.ge [sflag:s22], $0x80;
	p0 =	sne.s32 s24, s11  }
.Ltmp3:
0x257: {  	[sflag:s22] =	ssyncset.done $0x0;
	(pc) =	sbr.rel @p0 .LBB2_1-.Ltmp3, $4  }
0x258: {  	[sflag:s22] =	ssyncadd.s32 $0xFFFFFF80  }
0x259: {  	_ =	swait.ge [sflag:s23], $0x80  }
0x25a: {  	[sflag:s23] =	ssyncset.done $0x0  }
0x25b: {  	[sflag:s23] =	ssyncadd.s32 $0xFFFFFF80  }
0x25c: {  	_ =	sfence.sel $0x180000  }
0x25d: {  	[bflag:$0x0] =	sbarrier.arrive $0xFFFF  }
0x25e: {  	_ =	strace $0x90000047  }
0x25f: {  	[bflag:$0x2] =	sbarrier.arrive $0xFFFF  }
0x260: {  	p0 =	sne.s32 s2, $0x0;
	s0 =	rddreg [dreg:$0x3]  }
0x261: {  	s0 =	sadd.s32 @!p0 $0x100000, s0  }
0x262: {  	[sflag:s0] =	ssyncadd.tile.s32 @!p0 $0x1;
	_ =	shalt  }
.Lfunc_end2:
_tile_overlayer_lowered:
.L_overlay_start_2:
0x263: {  	(tag) =	ssettag $0x2  }
0x264: {  	s0 =	rddreg [dreg:$0x0];
	s2 =	stileid.u32  }
0x265: {  	s1 =	rddreg [dreg:$0x1];
	p0 =	sne.s32 s2, $0x0  }
0x266: {  	s3 =	rddreg [dreg:$0x2];
	[bflag:$0x3] =	sbarrier.arrive $0xFFFF;
	s2 =	simm.s32 @!p0 $0x1C07  }
0x267: {  	[timem:s3], [sflag:s2] =	dma.local @!p0 [hbm:s0], s1  }
0x268: {  	s0 =	simm.s32 @!p0 $0x7  }
0x269: {  	_ =	swait.ge @!p0 [sflag:s0], s1  }
0x26a: {  	s1 =	ssub.s32 @!p0 $0x0, s1;
	[sflag:s0] =	ssyncset.done @!p0 $0x0  }
0x26b: {  	[sflag:s0] =	ssyncadd.s32 @!p0 s1  }
0x26c: {  	[bflag:$0x3] =	sbarrier.arrive $0xFFFF  }
0x26d: {  	_ =	shalt  }

</sc_bundles>
